<compile_context>
chip_gen: v7x
topology: tpu7x:2x2x1
jax: 0.10.2.dev20260603
libtpu: 0.0.44.dev20260713+nightly
codegen_flags: <defaults>
</compile_context>

<pallas_src>
import functools

import jax
import jax.numpy as jnp
from jax import lax
from jax.experimental import pallas as pl
from jax.experimental.pallas import tpu as pltpu
from jax.experimental.pallas import tpu_sc as plsc

H = 768
I = 2048
E = 8
T = 2048
K = 2

BLK = 512
CAPB = T // BLK
NREG = E * T
GR = (K * T) // BLK + E
IC = 512
NI = I // IC

NW = 32
TPW = T // NW
CH = 32


def _gate_body(xf_ref, gw_ref, p0_ref, p1_ref, w0_ref, w1_ref, mi_ref,
               mask_ref, rank_ref):
    xf = xf_ref[...]
    logits = lax.dot_general(xf, gw_ref[...], (((1,), (1,)), ((), ())))
    m = jnp.max(logits, axis=1, keepdims=True)
    s = jnp.exp(logits - m)
    p = s / jnp.sum(s, axis=1, keepdims=True)
    lane = lax.broadcasted_iota(jnp.int32, p.shape, 1)
    m1 = jnp.max(p, axis=1, keepdims=True)
    i1 = jnp.min(jnp.where(p == m1, lane, 1000), axis=1, keepdims=True)
    p2 = jnp.where(lane == i1, -1.0, p)
    m2 = jnp.max(p2, axis=1, keepdims=True)
    i2 = jnp.min(jnp.where(p2 == m2, lane, 1000), axis=1, keepdims=True)
    denom = m1 + m2 + 1e-20
    w0_ref[...] = jnp.broadcast_to(m1 / denom, (T, 16))
    w1_ref[...] = jnp.broadcast_to(m2 / denom, (T, 16))

    mask = ((lane == i1) | (lane == i2)).astype(jnp.float32)
    mask_ref[...] = mask
    S = 256
    tri = (lax.broadcasted_iota(jnp.int32, (S, S), 1)
           < lax.broadcasted_iota(jnp.int32, (S, S), 0)).astype(jnp.float32)

    def _strip(k, off):
        sub = mask_ref[pl.ds(k * S, S), :]
        rk = lax.dot_general(tri, sub, (((1,), (0,)), ((), ())))
        rank_ref[pl.ds(k * S, S), :] = rk + jnp.broadcast_to(off, (S, E))
        return off + jnp.sum(sub, axis=0, keepdims=True)

    cnt_f = lax.fori_loop(0, T // S, _strip,
                          jnp.zeros((1, E), jnp.float32))
    rank_x = rank_ref[...]
    rank0 = jnp.sum(rank_x * (lane == i1), axis=1, keepdims=True)
    rank1 = jnp.sum(rank_x * (lane == i2), axis=1, keepdims=True)
    p0_ref[...] = i1 * T + rank0.astype(jnp.int32)
    p1_ref[...] = i2 * T + rank1.astype(jnp.int32)

    cnt = cnt_f.astype(jnp.int32)
    nb = (cnt + BLK - 1) // BLK
    e_row = lax.broadcasted_iota(jnp.int32, (E, E), 0)
    e_col = lax.broadcasted_iota(jnp.int32, (E, E), 1)
    le = (e_row <= e_col).astype(jnp.float32)
    cumnb = lax.dot_general(nb.astype(jnp.float32), le,
                            (((1,), (0,)), ((), ()))).astype(jnp.int32)
    total = cumnb[0:1, E - 1:E]
    gl = lax.broadcasted_iota(jnp.int32, (1, 64), 1)
    g_eff = jnp.minimum(gl, total - 1)
    ge_b = jnp.broadcast_to(g_eff, (E, 64))
    cum_col = jnp.broadcast_to(
        jnp.transpose(cumnb.astype(jnp.float32)).astype(jnp.int32), (E, 64))
    eg = jnp.sum((ge_b >= cum_col).astype(jnp.int32), axis=0, keepdims=True)
    cumx_col = cum_col - jnp.broadcast_to(
        jnp.transpose(nb.astype(jnp.float32)).astype(jnp.int32), (E, 64))
    e_iota = lax.broadcasted_iota(jnp.int32, (E, 64), 0)
    eg_b = jnp.broadcast_to(eg, (E, 64))
    cumx_sel = jnp.sum(jnp.where(e_iota == eg_b, cumx_col, 0), axis=0,
                       keepdims=True)
    brow = eg * CAPB + (g_eff - cumx_sel)
    mi_ref[:, 0:64] = eg
    mi_ref[:, 64:128] = brow
    mi_ref[:, 128:192] = jnp.broadcast_to(total, (1, 64))


def _gate_call(xf, gate_w):
    c2 = lambda i: (0, 0)
    return pl.pallas_call(
        _gate_body,
        grid=(1,),
        in_specs=[pl.BlockSpec((T, H), c2), pl.BlockSpec((E, H), c2)],
        out_specs=[
            pl.BlockSpec((T, 1), c2), pl.BlockSpec((T, 1), c2),
            pl.BlockSpec((T, 16), c2), pl.BlockSpec((T, 16), c2),
            pl.BlockSpec((1, 192), c2),
        ],
        out_shape=[
            jax.ShapeDtypeStruct((T, 1), jnp.int32),
            jax.ShapeDtypeStruct((T, 1), jnp.int32),
            jax.ShapeDtypeStruct((T, 16), jnp.float32),
            jax.ShapeDtypeStruct((T, 16), jnp.float32),
            jax.ShapeDtypeStruct((1, 192), jnp.int32),
        ],
        scratch_shapes=[pltpu.VMEM((T, E), jnp.float32),
                        pltpu.VMEM((T, E), jnp.float32)],
        compiler_params=pltpu.CompilerParams(
            vmem_limit_bytes=100 * 1024 * 1024),
    )(xf, gate_w)


@functools.lru_cache(maxsize=None)
def _make_dispatch():
    mesh = plsc.VectorSubcoreMesh(core_axis_name="c", subcore_axis_name="s")

    @functools.partial(
        pl.kernel, mesh=mesh,
        out_type=jax.ShapeDtypeStruct((NREG, H), jnp.float32),
        scratch_types=[
            pltpu.VMEM((TPW, H), jnp.float32),
            pltpu.VMEM((TPW,), jnp.int32),
            pltpu.VMEM((TPW,), jnp.int32),
            pltpu.SemaphoreType.DMA,
            pltpu.SemaphoreType.DMA,
        ],
    )
    def _dispatch(xf_hbm, p0_hbm, p1_hbm, disp_hbm, xrows, idx0, idx1,
                  sem0, sem1):
        wid = lax.axis_index("s") * 2 + lax.axis_index("c")
        base = wid * TPW
        pltpu.sync_copy(p0_hbm.at[pl.ds(base, TPW)], idx0)
        pltpu.sync_copy(p1_hbm.at[pl.ds(base, TPW)], idx1)
        pltpu.sync_copy(xf_hbm.at[pl.ds(base, TPW)], xrows)
        c0 = pltpu.async_copy(xrows, disp_hbm.at[idx0], sem0)
        c1 = pltpu.async_copy(xrows, disp_hbm.at[idx1], sem1)
        c0.wait()
        c1.wait()

    return _dispatch


def _ffn3(xin, wg, wu, wd):
    gate = lax.dot_general(xin, wg, (((1,), (1,)), ((), ())))
    up = lax.dot_general(xin, wu, (((1,), (1,)), ((), ())))
    h = jax.nn.silu(gate) * up
    return lax.dot_general(h, wd, (((1,), (1,)), ((), ())))


def _gffn_body(be_ref, br_ref, tot_ref, disp_ref, wg_ref, wu_ref, wd_ref,
               ye_ref):
    g = pl.program_id(0)

    @pl.when(g < tot_ref[0])
    def _():
        ye_ref[...] = _ffn3(disp_ref[...], wg_ref[0], wu_ref[0], wd_ref[0])


def _gffn_call(be, br, tot, disp, Wg, Wu, Wd):
    grid_spec = pltpu.PrefetchScalarGridSpec(
        num_scalar_prefetch=3,
        grid=(GR,),
        in_specs=[
            pl.BlockSpec((BLK, H), lambda g, be, br, tot: (br[g], 0)),
            pl.BlockSpec((1, I, H), lambda g, be, br, tot: (be[g], 0, 0)),
            pl.BlockSpec((1, I, H), lambda g, be, br, tot: (be[g], 0, 0)),
            pl.BlockSpec((1, H, I), lambda g, be, br, tot: (be[g], 0, 0)),
        ],
        out_specs=pl.BlockSpec((BLK, H), lambda g, be, br, tot: (br[g], 0)),
    )
    return pl.pallas_call(
        _gffn_body,
        grid_spec=grid_spec,
        out_shape=jax.ShapeDtypeStruct((NREG, H), jnp.float32),
        compiler_params=pltpu.CompilerParams(
            dimension_semantics=("arbitrary",),
            vmem_limit_bytes=100 * 1024 * 1024),
    )(be, br, tot, disp, Wg, Wu, Wd)


def _sffn_body(xf_ref, sg_ref, su_ref, sd_ref, out_ref):
    i = pl.program_id(0)
    part = _ffn3(xf_ref[...], sg_ref[...], su_ref[...], sd_ref[...])

    @pl.when(i == 0)
    def _():
        out_ref[...] = part

    @pl.when(i > 0)
    def _():
        out_ref[...] += part


def _sffn_call(xf, Sg, Su, Sd):
    return pl.pallas_call(
        _sffn_body,
        grid=(NI,),
        in_specs=[
            pl.BlockSpec((T, H), lambda i: (0, 0)),
            pl.BlockSpec((IC, H), lambda i: (i, 0)),
            pl.BlockSpec((IC, H), lambda i: (i, 0)),
            pl.BlockSpec((H, IC), lambda i: (0, i)),
        ],
        out_specs=pl.BlockSpec((T, H), lambda i: (0, 0)),
        out_shape=jax.ShapeDtypeStruct((T, H), jnp.float32),
        compiler_params=pltpu.CompilerParams(
            dimension_semantics=("arbitrary",),
            vmem_limit_bytes=100 * 1024 * 1024),
    )(xf, Sg, Su, Sd)


@functools.lru_cache(maxsize=None)
def _make_combine():
    mesh = plsc.VectorSubcoreMesh(core_axis_name="c", subcore_axis_name="s")
    NCH = TPW // CH

    @functools.partial(
        pl.kernel, mesh=mesh,
        out_type=jax.ShapeDtypeStruct((T, H), jnp.float32),
        scratch_types=[
            pltpu.VMEM((NCH, CH, H), jnp.float32),
            pltpu.VMEM((NCH, CH, H), jnp.float32),
            pltpu.VMEM((TPW,), jnp.int32),
            pltpu.VMEM((TPW,), jnp.int32),
            pltpu.VMEM((TPW, 16), jnp.float32),
            pltpu.VMEM((TPW, 16), jnp.float32),
            pltpu.SemaphoreType.DMA,
            pltpu.SemaphoreType.DMA,
            pltpu.SemaphoreType.DMA,
        ],
    )
    def _combine(ye_hbm, p0_hbm, p1_hbm, w0_hbm, w1_hbm, y_hbm,
                 a, b, i0, i1, w0v, w1v, sema, semb, semo):
        wid = lax.axis_index("s") * 2 + lax.axis_index("c")
        base = wid * TPW
        pltpu.sync_copy(p0_hbm.at[pl.ds(base, TPW)], i0)
        pltpu.sync_copy(p1_hbm.at[pl.ds(base, TPW)], i1)
        copies = []
        for c in range(NCH):
            copies.append(pltpu.async_copy(
                ye_hbm.at[i0.at[pl.ds(c * CH, CH)]], a.at[c], sema))
            copies.append(pltpu.async_copy(
                ye_hbm.at[i1.at[pl.ds(c * CH, CH)]], b.at[c], semb))
        pltpu.sync_copy(w0_hbm.at[pl.ds(base, TPW)], w0v)
        pltpu.sync_copy(w1_hbm.at[pl.ds(base, TPW)], w1v)
        outs = []
        for c in range(NCH):
            copies[2 * c].wait()
            copies[2 * c + 1].wait()

            @pl.loop(0, CH)
            def _(i):
                wa = w0v[c * CH + i, :]
                wb = w1v[c * CH + i, :]

                @pl.loop(0, H // 16)
                def _(jj):
                    sl = (c, i, pl.ds(jj * 16, 16))
                    a[sl] = wa * a[sl] + wb * b[sl]

            outs.append(pltpu.async_copy(
                a.at[c], y_hbm.at[pl.ds(base + c * CH, CH)], semo))
        for out in outs:
            out.wait()

    return _combine


def _add_body(a_ref, b_ref, o_ref):
    o_ref[...] = a_ref[...] + b_ref[...]


def _add_call(a, b):
    return pl.pallas_call(
        _add_body,
        grid=(4,),
        in_specs=[pl.BlockSpec((T // 4, H), lambda i: (i, 0)),
                  pl.BlockSpec((T // 4, H), lambda i: (i, 0))],
        out_specs=pl.BlockSpec((T // 4, H), lambda i: (i, 0)),
        out_shape=jax.ShapeDtypeStruct((T, H), jnp.float32),
        compiler_params=pltpu.CompilerParams(
            dimension_semantics=("arbitrary",)),
    )(a, b)


@jax.jit
def kernel(x, gate_w, Wg, Wu, Wd, Sg, Su, Sd):
    bsz, seq_len, h = x.shape
    xf = x.reshape(T, H)
    p0, p1, w0r, w1r, mi = _gate_call(xf, gate_w)
    p0f = p0.reshape(T)
    p1f = p1.reshape(T)
    be = mi[0, 0:GR]
    br = mi[0, 64:64 + GR]
    tot = mi[0, 128:129]
    disp = _make_dispatch()(xf, p0f, p1f)
    ys = _sffn_call(xf, Sg, Su, Sd)
    ye = _gffn_call(be, br, tot, disp, Wg, Wu, Wd)
    yr = _make_combine()(ye, p0f, p1f, w0r, w1r)
    y = _add_call(yr, ys)
    return y.reshape(bsz, seq_len, h)

# --- scband reference (transcript-rebuilt; emitter-appended) ---
"""Pipeline reference for scband-moefeed-forward-28183575397060 (READ-ONLY COPY).

The authoritative reference and input builder live on the scoring server;
editing this copy changes nothing except your own understanding.
"""

import jax, jax.numpy as jnp
import numpy as np

H = 768
I = 2048
E = 8
K = 2


def _ffn(x, wg, wu, wd):
    # torch Linear(in, out, bias=False): y = x @ W.T with W: [out, in]
    gate = x @ wg.T
    up = x @ wu.T
    return (jax.nn.silu(gate) * up) @ wd.T


def setup_inputs(seed: int = 0) -> dict:
    key = jax.random.key(seed)
    ks = jax.random.split(key, 9)
    x = jax.random.normal(ks[0], (1, 2048, H), dtype=jnp.float32)
    # MoEGate weight: kaiming_uniform with a=sqrt(5) -> U(-1/sqrt(fan_in), 1/sqrt(fan_in))
    bound = 1.0 / np.sqrt(H)
    gate_w = jax.random.uniform(ks[1], (E, H), minval=-bound, maxval=bound, dtype=jnp.float32)
    Wg = jax.random.normal(ks[2], (E, I, H), dtype=jnp.float32) * 0.02
    Wu = jax.random.normal(ks[3], (E, I, H), dtype=jnp.float32) * 0.02
    Wd = jax.random.normal(ks[4], (E, H, I), dtype=jnp.float32) * 0.02
    Sg = jax.random.normal(ks[5], (I, H), dtype=jnp.float32) * 0.02
    Su = jax.random.normal(ks[6], (I, H), dtype=jnp.float32) * 0.02
    Sd = jax.random.normal(ks[7], (H, I), dtype=jnp.float32) * 0.02
    return {"x": x, "gate_w": gate_w, "Wg": Wg, "Wu": Wu, "Wd": Wd, "Sg": Sg, "Su": Su, "Sd": Sd}


def reference(x, gate_w, Wg, Wu, Wd, Sg, Su, Sd):
    bsz, seq_len, h = x.shape
    identity = x
    xf = x.reshape(-1, h)
    T = xf.shape[0]
    # --- MoEGate ---
    logits = xf @ gate_w.T                       # [T, E]
    scores = jax.nn.softmax(logits, axis=-1)     # scoring_func='softmax'
    topk_w, topk_idx = jax.lax.top_k(scores, K)  # [T, K]
    # norm_topk_prob=True
    denom = jnp.sum(topk_w, axis=-1, keepdims=True) + 1e-20
    topk_w = topk_w / denom
    # dense per-token gate matrix via scatter-add (zero for non-selected experts)
    gates = jnp.zeros((T, E), dtype=xf.dtype)
    gates = gates.at[jnp.arange(T)[:, None], topk_idx].add(topk_w)  # [T, E]
    # --- expert combine (mathematically identical to sparse moe_infer dispatch) ---
    y = jnp.zeros_like(xf)
    for e in range(E):
        ye = _ffn(xf, Wg[e], Wu[e], Wd[e])
        y = y + gates[:, e:e + 1] * ye
    y = y.reshape(bsz, seq_len, h)
    # --- shared expert (n_shared_experts=1), dropout=0.0 -> identity ---
    y = y + _ffn(identity, Sg, Su, Sd)
    return y

if __name__ == "__main__":
    import jax
    _d = setup_inputs()
    print(jax.jit(kernel)(*tuple(_d.values())))

</pallas_src>

<mosaic_0001>
#map = affine_map<(d0, d1) -> (0, 0)>
#map1 = affine_map<(d0, d1) -> (0)>
module attributes {stable_mosaic.version = 14 : i64} {
  func.func @_combine(%arg0: i32, %arg1: i32, %arg2: memref<16384x768xf32, #tpu.memory_space<hbm>>, %arg3: memref<2048xi32, #tpu.memory_space<hbm>>, %arg4: memref<2048xi32, #tpu.memory_space<hbm>>, %arg5: memref<2048x16xf32, #tpu.memory_space<hbm>>, %arg6: memref<2048x16xf32, #tpu.memory_space<hbm>>, %arg7: memref<2048x768xf32, #tpu.memory_space<hbm>>, %arg8: memref<2x32x768xf32, #tpu.memory_space<vmem>>, %arg9: memref<2x32x768xf32, #tpu.memory_space<vmem>>, %arg10: memref<64xi32, #tpu.memory_space<vmem>>, %arg11: memref<64xi32, #tpu.memory_space<vmem>>, %arg12: memref<64x16xf32, #tpu.memory_space<vmem>>, %arg13: memref<64x16xf32, #tpu.memory_space<vmem>>, %arg14: memref<!tpu.dma_semaphore, #tpu.memory_space<semaphore_mem>>, %arg15: memref<!tpu.dma_semaphore, #tpu.memory_space<semaphore_mem>>, %arg16: memref<!tpu.dma_semaphore, #tpu.memory_space<semaphore_mem>>) attributes {dimension_semantics = [#tpu.dimension_semantics<core_parallel>, #tpu.dimension_semantics<subcore_parallel>], iteration_bounds = array<i64: 2, 16>, scalar_prefetch = 0 : i64, scratch_operands = 9 : i64, tpu.core_type = #tpu.core_type<sc_vector_subcore>, window_params = [{transform_indices = #map}, {transform_indices = #map1}, {transform_indices = #map1}, {transform_indices = #map}, {transform_indices = #map}, {transform_indices = #map}]} {
    %mul3A = arith.constant 2 : i32
    %mul3A_0 = arith.muli %arg1, %mul3A : i32
    %add3A = arith.addi %mul3A_0, %arg0 : i32
    %mul3A_1 = arith.constant 64 : i32
    %mul3A_2 = arith.muli %add3A, %mul3A_1 : i32
    "tpu.region"() ({
      %run_scoped3A = tpu.sem_alloc : memref<!tpu.dma_semaphore, #tpu.memory_space<semaphore_mem>>
      %dma_start3A_146 = tpu.memref_slice %arg3[%mul3A_2] : memref<2048xi32, #tpu.memory_space<hbm>> -> memref<64xi32, #tpu.memory_space<hbm>>
      %dma_start3A_147 = tpu.memref_slice %arg3[%mul3A_2] : memref<2048xi32, #tpu.memory_space<hbm>> -> memref<64xi32, #tpu.memory_space<hbm>>
      tpu.enqueue_dma source(%dma_start3A_147 : memref<64xi32, #tpu.memory_space<hbm>>) target(%arg10 : memref<64xi32, #tpu.memory_space<vmem>>) target_semaphore(%run_scoped3A : memref<!tpu.dma_semaphore, #tpu.memory_space<semaphore_mem>>)
      %dma_wait3A_148 = tpu.memref_slice %arg3[%mul3A_2] : memref<2048xi32, #tpu.memory_space<hbm>> -> memref<64xi32, #tpu.memory_space<hbm>>
      %dma_wait3A_149 = tpu.memref_slice %arg3[%mul3A_2] : memref<2048xi32, #tpu.memory_space<hbm>> -> memref<64xi32, #tpu.memory_space<hbm>>
      tpu.wait_dma2 semaphore(%run_scoped3A : memref<!tpu.dma_semaphore, #tpu.memory_space<semaphore_mem>>) src(%dma_wait3A_149 : memref<64xi32, #tpu.memory_space<hbm>>) dst(%arg10 : memref<64xi32, #tpu.memory_space<vmem>>)
      tpu.yield
    }) : () -> ()
    "tpu.region"() ({
      %run_scoped3A = tpu.sem_alloc : memref<!tpu.dma_semaphore, #tpu.memory_space<semaphore_mem>>
      %dma_start3A_146 = tpu.memref_slice %arg4[%mul3A_2] : memref<2048xi32, #tpu.memory_space<hbm>> -> memref<64xi32, #tpu.memory_space<hbm>>
      %dma_start3A_147 = tpu.memref_slice %arg4[%mul3A_2] : memref<2048xi32, #tpu.memory_space<hbm>> -> memref<64xi32, #tpu.memory_space<hbm>>
      tpu.enqueue_dma source(%dma_start3A_147 : memref<64xi32, #tpu.memory_space<hbm>>) target(%arg11 : memref<64xi32, #tpu.memory_space<vmem>>) target_semaphore(%run_scoped3A : memref<!tpu.dma_semaphore, #tpu.memory_space<semaphore_mem>>)
      %dma_wait3A_148 = tpu.memref_slice %arg4[%mul3A_2] : memref<2048xi32, #tpu.memory_space<hbm>> -> memref<64xi32, #tpu.memory_space<hbm>>
      %dma_wait3A_149 = tpu.memref_slice %arg4[%mul3A_2] : memref<2048xi32, #tpu.memory_space<hbm>> -> memref<64xi32, #tpu.memory_space<hbm>>
      tpu.wait_dma2 semaphore(%run_scoped3A : memref<!tpu.dma_semaphore, #tpu.memory_space<semaphore_mem>>) src(%dma_wait3A_149 : memref<64xi32, #tpu.memory_space<hbm>>) dst(%arg11 : memref<64xi32, #tpu.memory_space<vmem>>)
      tpu.yield
    }) : () -> ()
    %dma_start3A = arith.constant 0 : i32
    %dma_start3A_3 = arith.constant 0 : i32
    %dma_start3A_4 = arith.constant 0 : i32
    %dma_start3A_5 = tpu.memref_slice %arg8[%dma_start3A, %dma_start3A_3, %dma_start3A_4] : memref<2x32x768xf32, #tpu.memory_space<vmem>> -> memref<1x32x768xf32, #tpu.memory_space<vmem>>
    %dma_start3A_6 = tpu.memref_squeeze %dma_start3A_5 : memref<1x32x768xf32, #tpu.memory_space<vmem>> -> memref<32x768xf32, #tpu.memory_space<vmem>>
    %dma_start3A_7 = arith.constant 0 : i32
    %dma_start3A_8 = tpu.memref_slice %arg10[%dma_start3A_7] : memref<64xi32, #tpu.memory_space<vmem>> -> memref<32xi32, #tpu.memory_space<vmem>>
    %dma_start3A_9 = arith.constant 0 : i32
    %dma_start3A_10 = arith.constant 0 : i32
    %dma_start3A_11 = tpu.memref_slice %arg2[%dma_start3A_9, %dma_start3A_10] : memref<16384x768xf32, #tpu.memory_space<hbm>> -> memref<16384x768xf32, #tpu.memory_space<hbm>>
    tpu.enqueue_indirect_dma source(%dma_start3A_11 : memref<16384x768xf32, #tpu.memory_space<hbm>>) target(%dma_start3A_6 : memref<32x768xf32, #tpu.memory_space<vmem>>) offsets(%dma_start3A_8 : memref<32xi32, #tpu.memory_space<vmem>>) semaphore(%arg14 : memref<!tpu.dma_semaphore, #tpu.memory_space<semaphore_mem>>)
    %dma_start3A_12 = arith.constant 0 : i32
    %dma_start3A_13 = arith.constant 0 : i32
    %dma_start3A_14 = arith.constant 0 : i32
    %dma_start3A_15 = tpu.memref_slice %arg9[%dma_start3A_12, %dma_start3A_13, %dma_start3A_14] : memref<2x32x768xf32, #tpu.memory_space<vmem>> -> memref<1x32x768xf32, #tpu.memory_space<vmem>>
    %dma_start3A_16 = tpu.memref_squeeze %dma_start3A_15 : memref<1x32x768xf32, #tpu.memory_space<vmem>> -> memref<32x768xf32, #tpu.memory_space<vmem>>
    %dma_start3A_17 = arith.constant 0 : i32
    %dma_start3A_18 = tpu.memref_slice %arg11[%dma_start3A_17] : memref<64xi32, #tpu.memory_space<vmem>> -> memref<32xi32, #tpu.memory_space<vmem>>
    %dma_start3A_19 = arith.constant 0 : i32
    %dma_start3A_20 = arith.constant 0 : i32
    %dma_start3A_21 = tpu.memref_slice %arg2[%dma_start3A_19, %dma_start3A_20] : memref<16384x768xf32, #tpu.memory_space<hbm>> -> memref<16384x768xf32, #tpu.memory_space<hbm>>
    tpu.enqueue_indirect_dma source(%dma_start3A_21 : memref<16384x768xf32, #tpu.memory_space<hbm>>) target(%dma_start3A_16 : memref<32x768xf32, #tpu.memory_space<vmem>>) offsets(%dma_start3A_18 : memref<32xi32, #tpu.memory_space<vmem>>) semaphore(%arg15 : memref<!tpu.dma_semaphore, #tpu.memory_space<semaphore_mem>>)
    %dma_start3A_22 = arith.constant 1 : i32
    %dma_start3A_23 = arith.constant 0 : i32
    %dma_start3A_24 = arith.constant 0 : i32
    %dma_start3A_25 = tpu.memref_slice %arg8[%dma_start3A_22, %dma_start3A_23, %dma_start3A_24] : memref<2x32x768xf32, #tpu.memory_space<vmem>> -> memref<1x32x768xf32, #tpu.memory_space<vmem>>
    %dma_start3A_26 = tpu.memref_squeeze %dma_start3A_25 : memref<1x32x768xf32, #tpu.memory_space<vmem>> -> memref<32x768xf32, #tpu.memory_space<vmem>>
    %dma_start3A_27 = arith.constant 32 : i32
    %dma_start3A_28 = tpu.memref_slice %arg10[%dma_start3A_27] : memref<64xi32, #tpu.memory_space<vmem>> -> memref<32xi32, #tpu.memory_space<vmem>>
    %dma_start3A_29 = arith.constant 0 : i32
    %dma_start3A_30 = arith.constant 0 : i32
    %dma_start3A_31 = tpu.memref_slice %arg2[%dma_start3A_29, %dma_start3A_30] : memref<16384x768xf32, #tpu.memory_space<hbm>> -> memref<16384x768xf32, #tpu.memory_space<hbm>>
    tpu.enqueue_indirect_dma source(%dma_start3A_31 : memref<16384x768xf32, #tpu.memory_space<hbm>>) target(%dma_start3A_26 : memref<32x768xf32, #tpu.memory_space<vmem>>) offsets(%dma_start3A_28 : memref<32xi32, #tpu.memory_space<vmem>>) semaphore(%arg14 : memref<!tpu.dma_semaphore, #tpu.memory_space<semaphore_mem>>)
    %dma_start3A_32 = arith.constant 1 : i32
    %dma_start3A_33 = arith.constant 0 : i32
    %dma_start3A_34 = arith.constant 0 : i32
    %dma_start3A_35 = tpu.memref_slice %arg9[%dma_start3A_32, %dma_start3A_33, %dma_start3A_34] : memref<2x32x768xf32, #tpu.memory_space<vmem>> -> memref<1x32x768xf32, #tpu.memory_space<vmem>>
    %dma_start3A_36 = tpu.memref_squeeze %dma_start3A_35 : memref<1x32x768xf32, #tpu.memory_space<vmem>> -> memref<32x768xf32, #tpu.memory_space<vmem>>
    %dma_start3A_37 = arith.constant 32 : i32
    %dma_start3A_38 = tpu.memref_slice %arg11[%dma_start3A_37] : memref<64xi32, #tpu.memory_space<vmem>> -> memref<32xi32, #tpu.memory_space<vmem>>
    %dma_start3A_39 = arith.constant 0 : i32
    %dma_start3A_40 = arith.constant 0 : i32
    %dma_start3A_41 = tpu.memref_slice %arg2[%dma_start3A_39, %dma_start3A_40] : memref<16384x768xf32, #tpu.memory_space<hbm>> -> memref<16384x768xf32, #tpu.memory_space<hbm>>
    tpu.enqueue_indirect_dma source(%dma_start3A_41 : memref<16384x768xf32, #tpu.memory_space<hbm>>) target(%dma_start3A_36 : memref<32x768xf32, #tpu.memory_space<vmem>>) offsets(%dma_start3A_38 : memref<32xi32, #tpu.memory_space<vmem>>) semaphore(%arg15 : memref<!tpu.dma_semaphore, #tpu.memory_space<semaphore_mem>>)
    "tpu.region"() ({
      %run_scoped3A = tpu.sem_alloc : memref<!tpu.dma_semaphore, #tpu.memory_space<semaphore_mem>>
      %dma_start3A_146 = arith.constant 0 : i32
      %dma_start3A_147 = tpu.memref_slice %arg5[%mul3A_2, %dma_start3A_146] : memref<2048x16xf32, #tpu.memory_space<hbm>> -> memref<64x16xf32, #tpu.memory_space<hbm>>
      %dma_start3A_148 = arith.constant 0 : i32
      %dma_start3A_149 = tpu.memref_slice %arg5[%mul3A_2, %dma_start3A_148] : memref<2048x16xf32, #tpu.memory_space<hbm>> -> memref<64x16xf32, #tpu.memory_space<hbm>>
      tpu.enqueue_dma source(%dma_start3A_149 : memref<64x16xf32, #tpu.memory_space<hbm>>) target(%arg12 : memref<64x16xf32, #tpu.memory_space<vmem>>) target_semaphore(%run_scoped3A : memref<!tpu.dma_semaphore, #tpu.memory_space<semaphore_mem>>)
      %dma_wait3A_150 = arith.constant 0 : i32
      %dma_wait3A_151 = tpu.memref_slice %arg5[%mul3A_2, %dma_wait3A_150] : memref<2048x16xf32, #tpu.memory_space<hbm>> -> memref<64x16xf32, #tpu.memory_space<hbm>>
      %dma_wait3A_152 = arith.constant 0 : i32
      %dma_wait3A_153 = tpu.memref_slice %arg5[%mul3A_2, %dma_wait3A_152] : memref<2048x16xf32, #tpu.memory_space<hbm>> -> memref<64x16xf32, #tpu.memory_space<hbm>>
      tpu.wait_dma2 semaphore(%run_scoped3A : memref<!tpu.dma_semaphore, #tpu.memory_space<semaphore_mem>>) src(%dma_wait3A_153 : memref<64x16xf32, #tpu.memory_space<hbm>>) dst(%arg12 : memref<64x16xf32, #tpu.memory_space<vmem>>)
      tpu.yield
    }) : () -> ()
    "tpu.region"() ({
      %run_scoped3A = tpu.sem_alloc : memref<!tpu.dma_semaphore, #tpu.memory_space<semaphore_mem>>
      %dma_start3A_146 = arith.constant 0 : i32
      %dma_start3A_147 = tpu.memref_slice %arg6[%mul3A_2, %dma_start3A_146] : memref<2048x16xf32, #tpu.memory_space<hbm>> -> memref<64x16xf32, #tpu.memory_space<hbm>>
      %dma_start3A_148 = arith.constant 0 : i32
      %dma_start3A_149 = tpu.memref_slice %arg6[%mul3A_2, %dma_start3A_148] : memref<2048x16xf32, #tpu.memory_space<hbm>> -> memref<64x16xf32, #tpu.memory_space<hbm>>
      tpu.enqueue_dma source(%dma_start3A_149 : memref<64x16xf32, #tpu.memory_space<hbm>>) target(%arg13 : memref<64x16xf32, #tpu.memory_space<vmem>>) target_semaphore(%run_scoped3A : memref<!tpu.dma_semaphore, #tpu.memory_space<semaphore_mem>>)
      %dma_wait3A_150 = arith.constant 0 : i32
      %dma_wait3A_151 = tpu.memref_slice %arg6[%mul3A_2, %dma_wait3A_150] : memref<2048x16xf32, #tpu.memory_space<hbm>> -> memref<64x16xf32, #tpu.memory_space<hbm>>
      %dma_wait3A_152 = arith.constant 0 : i32
      %dma_wait3A_153 = tpu.memref_slice %arg6[%mul3A_2, %dma_wait3A_152] : memref<2048x16xf32, #tpu.memory_space<hbm>> -> memref<64x16xf32, #tpu.memory_space<hbm>>
      tpu.wait_dma2 semaphore(%run_scoped3A : memref<!tpu.dma_semaphore, #tpu.memory_space<semaphore_mem>>) src(%dma_wait3A_153 : memref<64x16xf32, #tpu.memory_space<hbm>>) dst(%arg13 : memref<64x16xf32, #tpu.memory_space<vmem>>)
      tpu.yield
    }) : () -> ()
    %dma_wait3A = arith.constant 0 : i32
    %dma_wait3A_42 = arith.constant 0 : i32
    %dma_wait3A_43 = arith.constant 0 : i32
    %dma_wait3A_44 = tpu.memref_slice %arg8[%dma_wait3A, %dma_wait3A_42, %dma_wait3A_43] : memref<2x32x768xf32, #tpu.memory_space<vmem>> -> memref<1x32x768xf32, #tpu.memory_space<vmem>>
    %dma_wait3A_45 = tpu.memref_squeeze %dma_wait3A_44 : memref<1x32x768xf32, #tpu.memory_space<vmem>> -> memref<32x768xf32, #tpu.memory_space<vmem>>
    %dma_wait3A_46 = arith.constant 0 : i32
    %dma_wait3A_47 = tpu.memref_slice %arg10[%dma_wait3A_46] : memref<64xi32, #tpu.memory_space<vmem>> -> memref<32xi32, #tpu.memory_space<vmem>>
    %dma_wait3A_48 = arith.constant 0 : i32
    %dma_wait3A_49 = arith.constant 0 : i32
    %dma_wait3A_50 = tpu.memref_slice %arg2[%dma_wait3A_48, %dma_wait3A_49] : memref<16384x768xf32, #tpu.memory_space<hbm>> -> memref<16384x768xf32, #tpu.memory_space<hbm>>
    tpu.wait_indirect_dma semaphore(%arg14 : memref<!tpu.dma_semaphore, #tpu.memory_space<semaphore_mem>>) src(%dma_wait3A_50 : memref<16384x768xf32, #tpu.memory_space<hbm>>) dst(%dma_wait3A_45 : memref<32x768xf32, #tpu.memory_space<vmem>>)
    %dma_wait3A_51 = arith.constant 0 : i32
    %dma_wait3A_52 = arith.constant 0 : i32
    %dma_wait3A_53 = arith.constant 0 : i32
    %dma_wait3A_54 = tpu.memref_slice %arg9[%dma_wait3A_51, %dma_wait3A_52, %dma_wait3A_53] : memref<2x32x768xf32, #tpu.memory_space<vmem>> -> memref<1x32x768xf32, #tpu.memory_space<vmem>>
    %dma_wait3A_55 = tpu.memref_squeeze %dma_wait3A_54 : memref<1x32x768xf32, #tpu.memory_space<vmem>> -> memref<32x768xf32, #tpu.memory_space<vmem>>
    %dma_wait3A_56 = arith.constant 0 : i32
    %dma_wait3A_57 = tpu.memref_slice %arg11[%dma_wait3A_56] : memref<64xi32, #tpu.memory_space<vmem>> -> memref<32xi32, #tpu.memory_space<vmem>>
    %dma_wait3A_58 = arith.constant 0 : i32
    %dma_wait3A_59 = arith.constant 0 : i32
    %dma_wait3A_60 = tpu.memref_slice %arg2[%dma_wait3A_58, %dma_wait3A_59] : memref<16384x768xf32, #tpu.memory_space<hbm>> -> memref<16384x768xf32, #tpu.memory_space<hbm>>
    tpu.wait_indirect_dma semaphore(%arg15 : memref<!tpu.dma_semaphore, #tpu.memory_space<semaphore_mem>>) src(%dma_wait3A_60 : memref<16384x768xf32, #tpu.memory_space<hbm>>) dst(%dma_wait3A_55 : memref<32x768xf32, #tpu.memory_space<vmem>>)
    %scan3A = arith.constant 0 : i32
    %scan3A_61 = arith.constant 32 : i32
    %scan3A_62 = arith.addi %scan3A, %scan3A_61 : i32
    %scan3A_63 = arith.constant 1 : i32
    scf.for %scan3A_146 = %scan3A to %scan3A_62 step %scan3A_63  : i32 {
      %mul3A_147 = arith.constant 1 : i32
      %mul3A_148 = arith.muli %scan3A_146, %mul3A_147 : i32
      %add3A_149 = arith.constant 0 : i32
      %add3A_150 = arith.addi %add3A_149, %mul3A_148 : i32
      %add3A_151 = arith.constant 0 : i32
      %add3A_152 = arith.addi %add3A_151, %add3A_150 : i32
      %get3A = arith.index_cast %add3A_152 : i32 to index
      %get3A_153 = arith.constant 0 : index
      %get3A_154 = tpu.vector_load %arg12[%get3A, %get3A_153] {strides = array<i32>} : memref<64x16xf32, #tpu.memory_space<vmem>>, vector<1x16xf32>,
      %get3A_155 = vector.shape_cast %get3A_154 : vector<1x16xf32> to vector<16xf32>
      %add3A_156 = arith.constant 0 : i32
      %add3A_157 = arith.addi %add3A_156, %add3A_150 : i32
      %get3A_158 = arith.index_cast %add3A_157 : i32 to index
      %get3A_159 = arith.constant 0 : index
      %get3A_160 = tpu.vector_load %arg13[%get3A_158, %get3A_159] {strides = array<i32>} : memref<64x16xf32, #tpu.memory_space<vmem>>, vector<1x16xf32>,
      %get3A_161 = vector.shape_cast %get3A_160 : vector<1x16xf32> to vector<16xf32>
      %scan3A_162 = arith.constant 0 : i32
      %scan3A_163 = arith.constant 48 : i32
      %scan3A_164 = arith.addi %scan3A_162, %scan3A_163 : i32
      %scan3A_165 = arith.constant 1 : i32
      scf.for %scan3A_167 = %scan3A_162 to %scan3A_164 step %scan3A_165  : i32 {
        %mul3A_168 = arith.constant 1 : i32
        %mul3A_169 = arith.muli %scan3A_167, %mul3A_168 : i32
        %add3A_170 = arith.constant 0 : i32
        %add3A_171 = arith.addi %add3A_170, %mul3A_169 : i32
        %mul3A_172 = arith.constant 16 : i32
        %mul3A_173 = arith.muli %add3A_171, %mul3A_172 : i32
        %get3A_174 = arith.constant 0 : i32
        %get3A_175 = arith.index_cast %get3A_174 : i32 to index
        %get3A_176 = arith.index_cast %add3A_150 : i32 to index
        %get3A_177 = arith.index_cast %mul3A_173 : i32 to index
        %get3A_178 = tpu.vector_load %arg8[%get3A_175, %get3A_176, %get3A_177] {strides = array<i32>} : memref<2x32x768xf32, #tpu.memory_space<vmem>>, vector<1x1x16xf32>,
        %get3A_179 = vector.shape_cast %get3A_178 : vector<1x1x16xf32> to vector<16xf32>
        %mul3A_180 = arith.mulf %get3A_155, %get3A_179 : vector<16xf32>
        %get3A_181 = arith.constant 0 : i32
        %get3A_182 = arith.index_cast %get3A_181 : i32 to index
        %get3A_183 = arith.index_cast %add3A_150 : i32 to index
        %get3A_184 = arith.index_cast %mul3A_173 : i32 to index
        %get3A_185 = tpu.vector_load %arg9[%get3A_182, %get3A_183, %get3A_184] {strides = array<i32>} : memref<2x32x768xf32, #tpu.memory_space<vmem>>, vector<1x1x16xf32>,
        %get3A_186 = vector.shape_cast %get3A_185 : vector<1x1x16xf32> to vector<16xf32>
        %mul3A_187 = arith.mulf %get3A_161, %get3A_186 : vector<16xf32>
        %add3A_188 = arith.addf %mul3A_180, %mul3A_187 : vector<16xf32>
        %swap3A = arith.constant 0 : i32
        %swap3A_189 = arith.index_cast %swap3A : i32 to index
        %swap3A_190 = arith.index_cast %add3A_150 : i32 to index
        %swap3A_191 = arith.index_cast %mul3A_173 : i32 to index
        %swap3A_192 = tpu.vector_load %arg8[%swap3A_189, %swap3A_190, %swap3A_191] {strides = array<i32>} : memref<2x32x768xf32, #tpu.memory_space<vmem>>, vector<1x1x16xf32>,
        %swap3A_193 = vector.shape_cast %swap3A_192 : vector<1x1x16xf32> to vector<16xf32>
        %swap3A_194 = vector.shape_cast %add3A_188 : vector<16xf32> to vector<1x1x16xf32>
        tpu.vector_store %arg8[%swap3A_189, %swap3A_190, %swap3A_191], %swap3A_194 {strides = array<i32>} : memref<2x32x768xf32, #tpu.memory_space<vmem>>, vector<1x1x16xf32>,
      }
      %scan3A_166 = arith.constant 48 : i32
    }
    %scan3A_64 = arith.constant 32 : i32
    %add3A_65 = arith.constant 0 : i32
    %add3A_66 = arith.addi %mul3A_2, %add3A_65 : i32
    %dma_start3A_67 = arith.constant 0 : i32
    %dma_start3A_68 = arith.constant 0 : i32
    %dma_start3A_69 = arith.constant 0 : i32
    %dma_start3A_70 = tpu.memref_slice %arg8[%dma_start3A_67, %dma_start3A_68, %dma_start3A_69] : memref<2x32x768xf32, #tpu.memory_space<vmem>> -> memref<1x32x768xf32, #tpu.memory_space<vmem>>
    %dma_start3A_71 = tpu.memref_squeeze %dma_start3A_70 : memref<1x32x768xf32, #tpu.memory_space<vmem>> -> memref<32x768xf32, #tpu.memory_space<vmem>>
    %dma_start3A_72 = arith.constant 0 : i32
    %dma_start3A_73 = tpu.memref_slice %arg7[%add3A_66, %dma_start3A_72] : memref<2048x768xf32, #tpu.memory_space<hbm>> -> memref<32x768xf32, #tpu.memory_space<hbm>>
    %dma_start3A_74 = arith.constant 0 : i32
    %dma_start3A_75 = tpu.memref_slice %arg7[%add3A_66, %dma_start3A_74] : memref<2048x768xf32, #tpu.memory_space<hbm>> -> memref<32x768xf32, #tpu.memory_space<hbm>>
    %dma_start3A_76 = arith.constant 0 : i32
    %dma_start3A_77 = arith.constant 0 : i32
    %dma_start3A_78 = tpu.memref_slice %arg8[%dma_start3A_67, %dma_start3A_76, %dma_start3A_77] : memref<2x32x768xf32, #tpu.memory_space<vmem>> -> memref<1x32x768xf32, #tpu.memory_space<vmem>>
    %dma_start3A_79 = tpu.memref_squeeze %dma_start3A_78 : memref<1x32x768xf32, #tpu.memory_space<vmem>> -> memref<32x768xf32, #tpu.memory_space<vmem>>
    tpu.enqueue_dma source(%dma_start3A_79 : memref<32x768xf32, #tpu.memory_space<vmem>>) target(%dma_start3A_75 : memref<32x768xf32, #tpu.memory_space<hbm>>) target_semaphore(%arg16 : memref<!tpu.dma_semaphore, #tpu.memory_space<semaphore_mem>>)
    %dma_wait3A_80 = arith.constant 1 : i32
    %dma_wait3A_81 = arith.constant 0 : i32
    %dma_wait3A_82 = arith.constant 0 : i32
    %dma_wait3A_83 = tpu.memref_slice %arg8[%dma_wait3A_80, %dma_wait3A_81, %dma_wait3A_82] : memref<2x32x768xf32, #tpu.memory_space<vmem>> -> memref<1x32x768xf32, #tpu.memory_space<vmem>>
    %dma_wait3A_84 = tpu.memref_squeeze %dma_wait3A_83 : memref<1x32x768xf32, #tpu.memory_space<vmem>> -> memref<32x768xf32, #tpu.memory_space<vmem>>
    %dma_wait3A_85 = arith.constant 32 : i32
    %dma_wait3A_86 = tpu.memref_slice %arg10[%dma_wait3A_85] : memref<64xi32, #tpu.memory_space<vmem>> -> memref<32xi32, #tpu.memory_space<vmem>>
    %dma_wait3A_87 = arith.constant 0 : i32
    %dma_wait3A_88 = arith.constant 0 : i32
    %dma_wait3A_89 = tpu.memref_slice %arg2[%dma_wait3A_87, %dma_wait3A_88] : memref<16384x768xf32, #tpu.memory_space<hbm>> -> memref<16384x768xf32, #tpu.memory_space<hbm>>
    tpu.wait_indirect_dma semaphore(%arg14 : memref<!tpu.dma_semaphore, #tpu.memory_space<semaphore_mem>>) src(%dma_wait3A_89 : memref<16384x768xf32, #tpu.memory_space<hbm>>) dst(%dma_wait3A_84 : memref<32x768xf32, #tpu.memory_space<vmem>>)
    %dma_wait3A_90 = arith.constant 1 : i32
    %dma_wait3A_91 = arith.constant 0 : i32
    %dma_wait3A_92 = arith.constant 0 : i32
    %dma_wait3A_93 = tpu.memref_slice %arg9[%dma_wait3A_90, %dma_wait3A_91, %dma_wait3A_92] : memref<2x32x768xf32, #tpu.memory_space<vmem>> -> memref<1x32x768xf32, #tpu.memory_space<vmem>>
    %dma_wait3A_94 = tpu.memref_squeeze %dma_wait3A_93 : memref<1x32x768xf32, #tpu.memory_space<vmem>> -> memref<32x768xf32, #tpu.memory_space<vmem>>
    %dma_wait3A_95 = arith.constant 32 : i32
    %dma_wait3A_96 = tpu.memref_slice %arg11[%dma_wait3A_95] : memref<64xi32, #tpu.memory_space<vmem>> -> memref<32xi32, #tpu.memory_space<vmem>>
    %dma_wait3A_97 = arith.constant 0 : i32
    %dma_wait3A_98 = arith.constant 0 : i32
    %dma_wait3A_99 = tpu.memref_slice %arg2[%dma_wait3A_97, %dma_wait3A_98] : memref<16384x768xf32, #tpu.memory_space<hbm>> -> memref<16384x768xf32, #tpu.memory_space<hbm>>
    tpu.wait_indirect_dma semaphore(%arg15 : memref<!tpu.dma_semaphore, #tpu.memory_space<semaphore_mem>>) src(%dma_wait3A_99 : memref<16384x768xf32, #tpu.memory_space<hbm>>) dst(%dma_wait3A_94 : memref<32x768xf32, #tpu.memory_space<vmem>>)
    %scan3A_100 = arith.constant 0 : i32
    %scan3A_101 = arith.constant 32 : i32
    %scan3A_102 = arith.addi %scan3A_100, %scan3A_101 : i32
    %scan3A_103 = arith.constant 1 : i32
    scf.for %scan3A_146 = %scan3A_100 to %scan3A_102 step %scan3A_103  : i32 {
      %mul3A_147 = arith.constant 1 : i32
      %mul3A_148 = arith.muli %scan3A_146, %mul3A_147 : i32
      %add3A_149 = arith.constant 0 : i32
      %add3A_150 = arith.addi %add3A_149, %mul3A_148 : i32
      %add3A_151 = arith.constant 32 : i32
      %add3A_152 = arith.addi %add3A_151, %add3A_150 : i32
      %get3A = arith.index_cast %add3A_152 : i32 to index
      %get3A_153 = arith.constant 0 : index
      %get3A_154 = tpu.vector_load %arg12[%get3A, %get3A_153] {strides = array<i32>} : memref<64x16xf32, #tpu.memory_space<vmem>>, vector<1x16xf32>,
      %get3A_155 = vector.shape_cast %get3A_154 : vector<1x16xf32> to vector<16xf32>
      %add3A_156 = arith.constant 32 : i32
      %add3A_157 = arith.addi %add3A_156, %add3A_150 : i32
      %get3A_158 = arith.index_cast %add3A_157 : i32 to index
      %get3A_159 = arith.constant 0 : index
      %get3A_160 = tpu.vector_load %arg13[%get3A_158, %get3A_159] {strides = array<i32>} : memref<64x16xf32, #tpu.memory_space<vmem>>, vector<1x16xf32>,
      %get3A_161 = vector.shape_cast %get3A_160 : vector<1x16xf32> to vector<16xf32>
      %scan3A_162 = arith.constant 0 : i32
      %scan3A_163 = arith.constant 48 : i32
      %scan3A_164 = arith.addi %scan3A_162, %scan3A_163 : i32
      %scan3A_165 = arith.constant 1 : i32
      scf.for %scan3A_167 = %scan3A_162 to %scan3A_164 step %scan3A_165  : i32 {
        %mul3A_168 = arith.constant 1 : i32
        %mul3A_169 = arith.muli %scan3A_167, %mul3A_168 : i32
        %add3A_170 = arith.constant 0 : i32
        %add3A_171 = arith.addi %add3A_170, %mul3A_169 : i32
        %mul3A_172 = arith.constant 16 : i32
        %mul3A_173 = arith.muli %add3A_171, %mul3A_172 : i32
        %get3A_174 = arith.constant 1 : i32
        %get3A_175 = arith.index_cast %get3A_174 : i32 to index
        %get3A_176 = arith.index_cast %add3A_150 : i32 to index
        %get3A_177 = arith.index_cast %mul3A_173 : i32 to index
        %get3A_178 = tpu.vector_load %arg8[%get3A_175, %get3A_176, %get3A_177] {strides = array<i32>} : memref<2x32x768xf32, #tpu.memory_space<vmem>>, vector<1x1x16xf32>,
        %get3A_179 = vector.shape_cast %get3A_178 : vector<1x1x16xf32> to vector<16xf32>
        %mul3A_180 = arith.mulf %get3A_155, %get3A_179 : vector<16xf32>
        %get3A_181 = arith.constant 1 : i32
        %get3A_182 = arith.index_cast %get3A_181 : i32 to index
        %get3A_183 = arith.index_cast %add3A_150 : i32 to index
        %get3A_184 = arith.index_cast %mul3A_173 : i32 to index
        %get3A_185 = tpu.vector_load %arg9[%get3A_182, %get3A_183, %get3A_184] {strides = array<i32>} : memref<2x32x768xf32, #tpu.memory_space<vmem>>, vector<1x1x16xf32>,
        %get3A_186 = vector.shape_cast %get3A_185 : vector<1x1x16xf32> to vector<16xf32>
        %mul3A_187 = arith.mulf %get3A_161, %get3A_186 : vector<16xf32>
        %add3A_188 = arith.addf %mul3A_180, %mul3A_187 : vector<16xf32>
        %swap3A = arith.constant 1 : i32
        %swap3A_189 = arith.index_cast %swap3A : i32 to index
        %swap3A_190 = arith.index_cast %add3A_150 : i32 to index
        %swap3A_191 = arith.index_cast %mul3A_173 : i32 to index
        %swap3A_192 = tpu.vector_load %arg8[%swap3A_189, %swap3A_190, %swap3A_191] {strides = array<i32>} : memref<2x32x768xf32, #tpu.memory_space<vmem>>, vector<1x1x16xf32>,
        %swap3A_193 = vector.shape_cast %swap3A_192 : vector<1x1x16xf32> to vector<16xf32>
        %swap3A_194 = vector.shape_cast %add3A_188 : vector<16xf32> to vector<1x1x16xf32>
        tpu.vector_store %arg8[%swap3A_189, %swap3A_190, %swap3A_191], %swap3A_194 {strides = array<i32>} : memref<2x32x768xf32, #tpu.memory_space<vmem>>, vector<1x1x16xf32>,
      }
      %scan3A_166 = arith.constant 48 : i32
    }
    %scan3A_104 = arith.constant 32 : i32
    %add3A_105 = arith.constant 32 : i32
    %add3A_106 = arith.addi %mul3A_2, %add3A_105 : i32
    %dma_start3A_107 = arith.constant 1 : i32
    %dma_start3A_108 = arith.constant 0 : i32
    %dma_start3A_109 = arith.constant 0 : i32
    %dma_start3A_110 = tpu.memref_slice %arg8[%dma_start3A_107, %dma_start3A_108, %dma_start3A_109] : memref<2x32x768xf32, #tpu.memory_space<vmem>> -> memref<1x32x768xf32, #tpu.memory_space<vmem>>
    %dma_start3A_111 = tpu.memref_squeeze %dma_start3A_110 : memref<1x32x768xf32, #tpu.memory_space<vmem>> -> memref<32x768xf32, #tpu.memory_space<vmem>>
    %dma_start3A_112 = arith.constant 0 : i32
    %dma_start3A_113 = tpu.memref_slice %arg7[%add3A_106, %dma_start3A_112] : memref<2048x768xf32, #tpu.memory_space<hbm>> -> memref<32x768xf32, #tpu.memory_space<hbm>>
    %dma_start3A_114 = arith.constant 0 : i32
    %dma_start3A_115 = tpu.memref_slice %arg7[%add3A_106, %dma_start3A_114] : memref<2048x768xf32, #tpu.memory_space<hbm>> -> memref<32x768xf32, #tpu.memory_space<hbm>>
    %dma_start3A_116 = arith.constant 0 : i32
    %dma_start3A_117 = arith.constant 0 : i32
    %dma_start3A_118 = tpu.memref_slice %arg8[%dma_start3A_107, %dma_start3A_116, %dma_start3A_117] : memref<2x32x768xf32, #tpu.memory_space<vmem>> -> memref<1x32x768xf32, #tpu.memory_space<vmem>>
    %dma_start3A_119 = tpu.memref_squeeze %dma_start3A_118 : memref<1x32x768xf32, #tpu.memory_space<vmem>> -> memref<32x768xf32, #tpu.memory_space<vmem>>
    tpu.enqueue_dma source(%dma_start3A_119 : memref<32x768xf32, #tpu.memory_space<vmem>>) target(%dma_start3A_115 : memref<32x768xf32, #tpu.memory_space<hbm>>) target_semaphore(%arg16 : memref<!tpu.dma_semaphore, #tpu.memory_space<semaphore_mem>>)
    %dma_wait3A_120 = arith.constant 0 : i32
    %dma_wait3A_121 = arith.constant 0 : i32
    %dma_wait3A_122 = arith.constant 0 : i32
    %dma_wait3A_123 = tpu.memref_slice %arg8[%dma_wait3A_120, %dma_wait3A_121, %dma_wait3A_122] : memref<2x32x768xf32, #tpu.memory_space<vmem>> -> memref<1x32x768xf32, #tpu.memory_space<vmem>>
    %dma_wait3A_124 = tpu.memref_squeeze %dma_wait3A_123 : memref<1x32x768xf32, #tpu.memory_space<vmem>> -> memref<32x768xf32, #tpu.memory_space<vmem>>
    %dma_wait3A_125 = arith.constant 0 : i32
    %dma_wait3A_126 = tpu.memref_slice %arg7[%add3A_66, %dma_wait3A_125] : memref<2048x768xf32, #tpu.memory_space<hbm>> -> memref<32x768xf32, #tpu.memory_space<hbm>>
    %dma_wait3A_127 = arith.constant 0 : i32
    %dma_wait3A_128 = tpu.memref_slice %arg7[%add3A_66, %dma_wait3A_127] : memref<2048x768xf32, #tpu.memory_space<hbm>> -> memref<32x768xf32, #tpu.memory_space<hbm>>
    %dma_wait3A_129 = arith.constant 0 : i32
    %dma_wait3A_130 = arith.constant 0 : i32
    %dma_wait3A_131 = tpu.memref_slice %arg8[%dma_wait3A_120, %dma_wait3A_129, %dma_wait3A_130] : memref<2x32x768xf32, #tpu.memory_space<vmem>> -> memref<1x32x768xf32, #tpu.memory_space<vmem>>
    %dma_wait3A_132 = tpu.memref_squeeze %dma_wait3A_131 : memref<1x32x768xf32, #tpu.memory_space<vmem>> -> memref<32x768xf32, #tpu.memory_space<vmem>>
    tpu.wait_dma2 semaphore(%arg16 : memref<!tpu.dma_semaphore, #tpu.memory_space<semaphore_mem>>) src(%dma_wait3A_132 : memref<32x768xf32, #tpu.memory_space<vmem>>) dst(%dma_wait3A_128 : memref<32x768xf32, #tpu.memory_space<hbm>>)
    %dma_wait3A_133 = arith.constant 1 : i32
    %dma_wait3A_134 = arith.constant 0 : i32
    %dma_wait3A_135 = arith.constant 0 : i32
    %dma_wait3A_136 = tpu.memref_slice %arg8[%dma_wait3A_133, %dma_wait3A_134, %dma_wait3A_135] : memref<2x32x768xf32, #tpu.memory_space<vmem>> -> memref<1x32x768xf32, #tpu.memory_space<vmem>>
    %dma_wait3A_137 = tpu.memref_squeeze %dma_wait3A_136 : memref<1x32x768xf32, #tpu.memory_space<vmem>> -> memref<32x768xf32, #tpu.memory_space<vmem>>
    %dma_wait3A_138 = arith.constant 0 : i32
    %dma_wait3A_139 = tpu.memref_slice %arg7[%add3A_106, %dma_wait3A_138] : memref<2048x768xf32, #tpu.memory_space<hbm>> -> memref<32x768xf32, #tpu.memory_space<hbm>>
    %dma_wait3A_140 = arith.constant 0 : i32
    %dma_wait3A_141 = tpu.memref_slice %arg7[%add3A_106, %dma_wait3A_140] : memref<2048x768xf32, #tpu.memory_space<hbm>> -> memref<32x768xf32, #tpu.memory_space<hbm>>
    %dma_wait3A_142 = arith.constant 0 : i32
    %dma_wait3A_143 = arith.constant 0 : i32
    %dma_wait3A_144 = tpu.memref_slice %arg8[%dma_wait3A_133, %dma_wait3A_142, %dma_wait3A_143] : memref<2x32x768xf32, #tpu.memory_space<vmem>> -> memref<1x32x768xf32, #tpu.memory_space<vmem>>
    %dma_wait3A_145 = tpu.memref_squeeze %dma_wait3A_144 : memref<1x32x768xf32, #tpu.memory_space<vmem>> -> memref<32x768xf32, #tpu.memory_space<vmem>>
    tpu.wait_dma2 semaphore(%arg16 : memref<!tpu.dma_semaphore, #tpu.memory_space<semaphore_mem>>) src(%dma_wait3A_145 : memref<32x768xf32, #tpu.memory_space<vmem>>) dst(%dma_wait3A_141 : memref<32x768xf32, #tpu.memory_space<hbm>>)
    return
  }
}

#map = affine_map<(d0, d1) -> (0, 0)>
#map1 = affine_map<(d0, d1) -> (0)>
module attributes {stable_mosaic.version = 14 : i64} {
  func.func @_dispatch(%arg0: i32, %arg1: i32, %arg2: memref<2048x768xf32, #tpu.memory_space<hbm>>, %arg3: memref<2048xi32, #tpu.memory_space<hbm>>, %arg4: memref<2048xi32, #tpu.memory_space<hbm>>, %arg5: memref<16384x768xf32, #tpu.memory_space<hbm>>, %arg6: memref<64x768xf32, #tpu.memory_space<vmem>>, %arg7: memref<64xi32, #tpu.memory_space<vmem>>, %arg8: memref<64xi32, #tpu.memory_space<vmem>>, %arg9: memref<!tpu.dma_semaphore, #tpu.memory_space<semaphore_mem>>, %arg10: memref<!tpu.dma_semaphore, #tpu.memory_space<semaphore_mem>>) attributes {dimension_semantics = [#tpu.dimension_semantics<core_parallel>, #tpu.dimension_semantics<subcore_parallel>], iteration_bounds = array<i64: 2, 16>, scalar_prefetch = 0 : i64, scratch_operands = 5 : i64, tpu.core_type = #tpu.core_type<sc_vector_subcore>, window_params = [{transform_indices = #map}, {transform_indices = #map1}, {transform_indices = #map1}, {transform_indices = #map}]} {
    %mul3A = arith.constant 2 : i32
    %mul3A_0 = arith.muli %arg1, %mul3A : i32
    %add3A = arith.addi %mul3A_0, %arg0 : i32
    %mul3A_1 = arith.constant 64 : i32
    %mul3A_2 = arith.muli %add3A, %mul3A_1 : i32
    "tpu.region"() ({
      %run_scoped3A = tpu.sem_alloc : memref<!tpu.dma_semaphore, #tpu.memory_space<semaphore_mem>>
      %dma_start3A_13 = tpu.memref_slice %arg3[%mul3A_2] : memref<2048xi32, #tpu.memory_space<hbm>> -> memref<64xi32, #tpu.memory_space<hbm>>
      %dma_start3A_14 = tpu.memref_slice %arg3[%mul3A_2] : memref<2048xi32, #tpu.memory_space<hbm>> -> memref<64xi32, #tpu.memory_space<hbm>>
      tpu.enqueue_dma source(%dma_start3A_14 : memref<64xi32, #tpu.memory_space<hbm>>) target(%arg7 : memref<64xi32, #tpu.memory_space<vmem>>) target_semaphore(%run_scoped3A : memref<!tpu.dma_semaphore, #tpu.memory_space<semaphore_mem>>)
      %dma_wait3A_15 = tpu.memref_slice %arg3[%mul3A_2] : memref<2048xi32, #tpu.memory_space<hbm>> -> memref<64xi32, #tpu.memory_space<hbm>>
      %dma_wait3A_16 = tpu.memref_slice %arg3[%mul3A_2] : memref<2048xi32, #tpu.memory_space<hbm>> -> memref<64xi32, #tpu.memory_space<hbm>>
      tpu.wait_dma2 semaphore(%run_scoped3A : memref<!tpu.dma_semaphore, #tpu.memory_space<semaphore_mem>>) src(%dma_wait3A_16 : memref<64xi32, #tpu.memory_space<hbm>>) dst(%arg7 : memref<64xi32, #tpu.memory_space<vmem>>)
      tpu.yield
    }) : () -> ()
    "tpu.region"() ({
      %run_scoped3A = tpu.sem_alloc : memref<!tpu.dma_semaphore, #tpu.memory_space<semaphore_mem>>
      %dma_start3A_13 = tpu.memref_slice %arg4[%mul3A_2] : memref<2048xi32, #tpu.memory_space<hbm>> -> memref<64xi32, #tpu.memory_space<hbm>>
      %dma_start3A_14 = tpu.memref_slice %arg4[%mul3A_2] : memref<2048xi32, #tpu.memory_space<hbm>> -> memref<64xi32, #tpu.memory_space<hbm>>
      tpu.enqueue_dma source(%dma_start3A_14 : memref<64xi32, #tpu.memory_space<hbm>>) target(%arg8 : memref<64xi32, #tpu.memory_space<vmem>>) target_semaphore(%run_scoped3A : memref<!tpu.dma_semaphore, #tpu.memory_space<semaphore_mem>>)
      %dma_wait3A_15 = tpu.memref_slice %arg4[%mul3A_2] : memref<2048xi32, #tpu.memory_space<hbm>> -> memref<64xi32, #tpu.memory_space<hbm>>
      %dma_wait3A_16 = tpu.memref_slice %arg4[%mul3A_2] : memref<2048xi32, #tpu.memory_space<hbm>> -> memref<64xi32, #tpu.memory_space<hbm>>
      tpu.wait_dma2 semaphore(%run_scoped3A : memref<!tpu.dma_semaphore, #tpu.memory_space<semaphore_mem>>) src(%dma_wait3A_16 : memref<64xi32, #tpu.memory_space<hbm>>) dst(%arg8 : memref<64xi32, #tpu.memory_space<vmem>>)
      tpu.yield
    }) : () -> ()
    "tpu.region"() ({
      %run_scoped3A = tpu.sem_alloc : memref<!tpu.dma_semaphore, #tpu.memory_space<semaphore_mem>>
      %dma_start3A_13 = arith.constant 0 : i32
      %dma_start3A_14 = tpu.memref_slice %arg2[%mul3A_2, %dma_start3A_13] : memref<2048x768xf32, #tpu.memory_space<hbm>> -> memref<64x768xf32, #tpu.memory_space<hbm>>
      %dma_start3A_15 = arith.constant 0 : i32
      %dma_start3A_16 = tpu.memref_slice %arg2[%mul3A_2, %dma_start3A_15] : memref<2048x768xf32, #tpu.memory_space<hbm>> -> memref<64x768xf32, #tpu.memory_space<hbm>>
      tpu.enqueue_dma source(%dma_start3A_16 : memref<64x768xf32, #tpu.memory_space<hbm>>) target(%arg6 : memref<64x768xf32, #tpu.memory_space<vmem>>) target_semaphore(%run_scoped3A : memref<!tpu.dma_semaphore, #tpu.memory_space<semaphore_mem>>)
      %dma_wait3A_17 = arith.constant 0 : i32
      %dma_wait3A_18 = tpu.memref_slice %arg2[%mul3A_2, %dma_wait3A_17] : memref<2048x768xf32, #tpu.memory_space<hbm>> -> memref<64x768xf32, #tpu.memory_space<hbm>>
      %dma_wait3A_19 = arith.constant 0 : i32
      %dma_wait3A_20 = tpu.memref_slice %arg2[%mul3A_2, %dma_wait3A_19] : memref<2048x768xf32, #tpu.memory_space<hbm>> -> memref<64x768xf32, #tpu.memory_space<hbm>>
      tpu.wait_dma2 semaphore(%run_scoped3A : memref<!tpu.dma_semaphore, #tpu.memory_space<semaphore_mem>>) src(%dma_wait3A_20 : memref<64x768xf32, #tpu.memory_space<hbm>>) dst(%arg6 : memref<64x768xf32, #tpu.memory_space<vmem>>)
      tpu.yield
    }) : () -> ()
    %dma_start3A = arith.constant 0 : i32
    %dma_start3A_3 = arith.constant 0 : i32
    %dma_start3A_4 = tpu.memref_slice %arg5[%dma_start3A, %dma_start3A_3] : memref<16384x768xf32, #tpu.memory_space<hbm>> -> memref<16384x768xf32, #tpu.memory_space<hbm>>
    tpu.enqueue_indirect_dma source(%arg6 : memref<64x768xf32, #tpu.memory_space<vmem>>) target(%dma_start3A_4 : memref<16384x768xf32, #tpu.memory_space<hbm>>) offsets(%arg7 : memref<64xi32, #tpu.memory_space<vmem>>) semaphore(%arg9 : memref<!tpu.dma_semaphore, #tpu.memory_space<semaphore_mem>>)
    %dma_start3A_5 = arith.constant 0 : i32
    %dma_start3A_6 = arith.constant 0 : i32
    %dma_start3A_7 = tpu.memref_slice %arg5[%dma_start3A_5, %dma_start3A_6] : memref<16384x768xf32, #tpu.memory_space<hbm>> -> memref<16384x768xf32, #tpu.memory_space<hbm>>
    tpu.enqueue_indirect_dma source(%arg6 : memref<64x768xf32, #tpu.memory_space<vmem>>) target(%dma_start3A_7 : memref<16384x768xf32, #tpu.memory_space<hbm>>) offsets(%arg8 : memref<64xi32, #tpu.memory_space<vmem>>) semaphore(%arg10 : memref<!tpu.dma_semaphore, #tpu.memory_space<semaphore_mem>>)
    %dma_wait3A = arith.constant 0 : i32
    %dma_wait3A_8 = arith.constant 0 : i32
    %dma_wait3A_9 = tpu.memref_slice %arg5[%dma_wait3A, %dma_wait3A_8] : memref<16384x768xf32, #tpu.memory_space<hbm>> -> memref<16384x768xf32, #tpu.memory_space<hbm>>
    tpu.wait_indirect_dma semaphore(%arg9 : memref<!tpu.dma_semaphore, #tpu.memory_space<semaphore_mem>>) src(%arg6 : memref<64x768xf32, #tpu.memory_space<vmem>>) dst(%dma_wait3A_9 : memref<16384x768xf32, #tpu.memory_space<hbm>>)
    %dma_wait3A_10 = arith.constant 0 : i32
    %dma_wait3A_11 = arith.constant 0 : i32
    %dma_wait3A_12 = tpu.memref_slice %arg5[%dma_wait3A_10, %dma_wait3A_11] : memref<16384x768xf32, #tpu.memory_space<hbm>> -> memref<16384x768xf32, #tpu.memory_space<hbm>>
    tpu.wait_indirect_dma semaphore(%arg10 : memref<!tpu.dma_semaphore, #tpu.memory_space<semaphore_mem>>) src(%arg6 : memref<64x768xf32, #tpu.memory_space<vmem>>) dst(%dma_wait3A_12 : memref<16384x768xf32, #tpu.memory_space<hbm>>)
    return
  }
}

module attributes {stable_mosaic.version = 14 : i64} {
  func.func @_gffn_body(%arg0: i32, %arg1: memref<16xi32, #tpu.memory_space<smem>>, %arg2: memref<16xi32, #tpu.memory_space<smem>>, %arg3: memref<1xi32, #tpu.memory_space<smem>>, %arg4: memref<512x768xf32, #tpu.memory_space<vmem>>, %arg5: memref<1x2048x768xf32, #tpu.memory_space<vmem>>, %arg6: memref<1x2048x768xf32, #tpu.memory_space<vmem>>, %arg7: memref<1x768x2048xf32, #tpu.memory_space<vmem>>, %arg8: memref<512x768xf32, #tpu.memory_space<vmem>>) attributes {dimension_semantics = [#tpu.dimension_semantics<arbitrary>], iteration_bounds = array<i64: 16>, scalar_prefetch = 3 : i64, scratch_operands = 0 : i64, tpu.core_type = #tpu.core_type<tc>, window_params = [{transform_indices = @transform_0, window_bounds = array<i64: 512, 768>}, {transform_indices = @transform_1, window_bounds = array<i64: 1, 2048, 768>}, {transform_indices = @transform_2, window_bounds = array<i64: 1, 2048, 768>}, {transform_indices = @transform_3, window_bounds = array<i64: 1, 768, 2048>}, {transform_indices = @transform_4, window_bounds = array<i64: 512, 768>}]} {
    %get3A = arith.constant 0 : index
    %get3A_0 = memref.load %arg3[%get3A] : memref<1xi32, #tpu.memory_space<smem>>
    %lt3A = arith.cmpi slt, %arg0, %get3A_0 : i32
    %convert_element_type3A = arith.extui %lt3A : i1 to i32
    %cond3A = arith.constant 0 : i32
    %cond3A_1 = arith.cmpi ne, %convert_element_type3A, %cond3A : i32
    scf.if %cond3A_1 {
      %get3A_2 = arith.constant 0 : index
      %get3A_3 = arith.constant 0 : index
      %get3A_4 = vector.load %arg4[%get3A_2, %get3A_3] : memref<512x768xf32, #tpu.memory_space<vmem>>, vector<512x768xf32>
      %get3A_5 = arith.constant 0 : index
      %get3A_6 = arith.constant 0 : index
      %get3A_7 = arith.constant 0 : index
      %get3A_8 = vector.load %arg5[%get3A_5, %get3A_6, %get3A_7] : memref<1x2048x768xf32, #tpu.memory_space<vmem>>, vector<1x2048x768xf32>
      %get3A_9 = vector.shape_cast %get3A_8 : vector<1x2048x768xf32> to vector<2048x768xf32>
      %get3A_10 = arith.constant 0 : index
      %get3A_11 = arith.constant 0 : index
      %get3A_12 = arith.constant 0 : index
      %get3A_13 = vector.load %arg6[%get3A_10, %get3A_11, %get3A_12] : memref<1x2048x768xf32, #tpu.memory_space<vmem>>, vector<1x2048x768xf32>
      %get3A_14 = vector.shape_cast %get3A_13 : vector<1x2048x768xf32> to vector<2048x768xf32>
      %get3A_15 = arith.constant 0 : index
      %get3A_16 = arith.constant 0 : index
      %get3A_17 = arith.constant 0 : index
      %get3A_18 = vector.load %arg7[%get3A_15, %get3A_16, %get3A_17] : memref<1x768x2048xf32, #tpu.memory_space<vmem>>, vector<1x768x2048xf32>
      %get3A_19 = vector.shape_cast %get3A_18 : vector<1x768x2048xf32> to vector<768x2048xf32>
      %dot_general3A = arith.constant dense<0.000000e+00> : vector<512x2048xf32>
      %dot_general3A_20 = tpu.matmul %get3A_4, %get3A_9, %dot_general3A {dimension_numbers = #tpu.dot_dimension_numbers<[1], [1], [0], [0], [0, 0, 1, 0], [], []>, transpose_lhs_hint = false} : vector<512x768xf32>, vector<2048x768xf32>, vector<512x2048xf32> -> vector<512x2048xf32>
      %dot_general3A_21 = arith.constant dense<0.000000e+00> : vector<512x2048xf32>
      %dot_general3A_22 = tpu.matmul %get3A_4, %get3A_14, %dot_general3A_21 {dimension_numbers = #tpu.dot_dimension_numbers<[1], [1], [0], [0], [0, 0, 1, 0], [], []>, transpose_lhs_hint = false} : vector<512x768xf32>, vector<2048x768xf32>, vector<512x2048xf32> -> vector<512x2048xf32>
      %logistic3A = arith.negf %dot_general3A_20 : vector<512x2048xf32>
      %logistic3A_23 = math.exp %logistic3A : vector<512x2048xf32>
      %logistic3A_24 = arith.constant 1.000000e+00 : f32
      %logistic3A_25 = vector.broadcast %logistic3A_24 : f32 to vector<512x2048xf32>
      %logistic3A_26 = arith.addf %logistic3A_25, %logistic3A_23 : vector<512x2048xf32>
      %logistic3A_27 = arith.divf %logistic3A_25, %logistic3A_26 : vector<512x2048xf32>
      %mul3A = arith.mulf %dot_general3A_20, %logistic3A_27 : vector<512x2048xf32>
      %mul3A_28 = arith.mulf %mul3A, %dot_general3A_22 : vector<512x2048xf32>
      %dot_general3A_29 = arith.constant dense<0.000000e+00> : vector<512x768xf32>
      %dot_general3A_30 = tpu.matmul %mul3A_28, %get3A_19, %dot_general3A_29 {dimension_numbers = #tpu.dot_dimension_numbers<[1], [1], [0], [0], [0, 0, 1, 0], [], []>, transpose_lhs_hint = false} : vector<512x2048xf32>, vector<768x2048xf32>, vector<512x768xf32> -> vector<512x768xf32>
      %swap3A = arith.constant 0 : index
      %swap3A_31 = arith.constant 0 : index
      %swap3A_32 = vector.load %arg8[%swap3A, %swap3A_31] : memref<512x768xf32, #tpu.memory_space<vmem>>, vector<512x768xf32>
      tpu.vector_store %arg8[%swap3A, %swap3A_31], %dot_general3A_30 {strides = array<i32>} : memref<512x768xf32, #tpu.memory_space<vmem>>, vector<512x768xf32>,
    } else {
    }
    return
  }
  func.func @transform_0(%arg0: i32, %arg1: memref<16xi32, #tpu.memory_space<smem>>, %arg2: memref<16xi32, #tpu.memory_space<smem>>, %arg3: memref<1xi32, #tpu.memory_space<smem>>) -> (i32, i32) {
    %get3A = arith.index_cast %arg0 : i32 to index
    %get3A_0 = memref.load %arg2[%get3A] : memref<16xi32, #tpu.memory_space<smem>>
    %c0_i32 = arith.constant 0 : i32
    %c0_i32_1 = arith.constant 0 : i32
    return %get3A_0, %c0_i32 : i32, i32
  }
  func.func @transform_1(%arg0: i32, %arg1: memref<16xi32, #tpu.memory_space<smem>>, %arg2: memref<16xi32, #tpu.memory_space<smem>>, %arg3: memref<1xi32, #tpu.memory_space<smem>>) -> (i32, i32, i32) {
    %get3A = arith.index_cast %arg0 : i32 to index
    %get3A_0 = memref.load %arg1[%get3A] : memref<16xi32, #tpu.memory_space<smem>>
    %c0_i32 = arith.constant 0 : i32
    %c0_i32_1 = arith.constant 0 : i32
    %c0_i32_2 = arith.constant 0 : i32
    return %get3A_0, %c0_i32, %c0_i32_1 : i32, i32, i32
  }
  func.func @transform_2(%arg0: i32, %arg1: memref<16xi32, #tpu.memory_space<smem>>, %arg2: memref<16xi32, #tpu.memory_space<smem>>, %arg3: memref<1xi32, #tpu.memory_space<smem>>) -> (i32, i32, i32) {
    %get3A = arith.index_cast %arg0 : i32 to index
    %get3A_0 = memref.load %arg1[%get3A] : memref<16xi32, #tpu.memory_space<smem>>
    %c0_i32 = arith.constant 0 : i32
    %c0_i32_1 = arith.constant 0 : i32
    %c0_i32_2 = arith.constant 0 : i32
    return %get3A_0, %c0_i32, %c0_i32_1 : i32, i32, i32
  }
  func.func @transform_3(%arg0: i32, %arg1: memref<16xi32, #tpu.memory_space<smem>>, %arg2: memref<16xi32, #tpu.memory_space<smem>>, %arg3: memref<1xi32, #tpu.memory_space<smem>>) -> (i32, i32, i32) {
    %get3A = arith.index_cast %arg0 : i32 to index
    %get3A_0 = memref.load %arg1[%get3A] : memref<16xi32, #tpu.memory_space<smem>>
    %c0_i32 = arith.constant 0 : i32
    %c0_i32_1 = arith.constant 0 : i32
    %c0_i32_2 = arith.constant 0 : i32
    return %get3A_0, %c0_i32, %c0_i32_1 : i32, i32, i32
  }
  func.func @transform_4(%arg0: i32, %arg1: memref<16xi32, #tpu.memory_space<smem>>, %arg2: memref<16xi32, #tpu.memory_space<smem>>, %arg3: memref<1xi32, #tpu.memory_space<smem>>) -> (i32, i32) {
    %get3A = arith.index_cast %arg0 : i32 to index
    %get3A_0 = memref.load %arg2[%get3A] : memref<16xi32, #tpu.memory_space<smem>>
    %c0_i32 = arith.constant 0 : i32
    %c0_i32_1 = arith.constant 0 : i32
    return %get3A_0, %c0_i32 : i32, i32
  }
}

module attributes {stable_mosaic.version = 14 : i64} {
  func.func @_gate_body(%arg0: i32, %arg1: memref<2048x768xf32, #tpu.memory_space<vmem>>, %arg2: memref<8x768xf32, #tpu.memory_space<vmem>>, %arg3: memref<2048x1xi32, #tpu.memory_space<vmem>>, %arg4: memref<2048x1xi32, #tpu.memory_space<vmem>>, %arg5: memref<2048x16xf32, #tpu.memory_space<vmem>>, %arg6: memref<2048x16xf32, #tpu.memory_space<vmem>>, %arg7: memref<1x192xi32, #tpu.memory_space<vmem>>, %arg8: memref<2048x8xf32, #tpu.memory_space<vmem>>, %arg9: memref<2048x8xf32, #tpu.memory_space<vmem>>) attributes {dimension_semantics = [#tpu.dimension_semantics<arbitrary>], iteration_bounds = array<i64: 1>, scalar_prefetch = 0 : i64, scratch_operands = 2 : i64, tpu.core_type = #tpu.core_type<tc>, window_params = [{pipeline_mode = #tpu.pipeline_mode<synchronous>, transform_indices = @transform_0, window_bounds = array<i64: 2048, 768>}, {pipeline_mode = #tpu.pipeline_mode<synchronous>, transform_indices = @transform_1, window_bounds = array<i64: 8, 768>}, {pipeline_mode = #tpu.pipeline_mode<synchronous>, transform_indices = @transform_2, window_bounds = array<i64: 2048, 1>}, {pipeline_mode = #tpu.pipeline_mode<synchronous>, transform_indices = @transform_3, window_bounds = array<i64: 2048, 1>}, {pipeline_mode = #tpu.pipeline_mode<synchronous>, transform_indices = @transform_4, window_bounds = array<i64: 2048, 16>}, {pipeline_mode = #tpu.pipeline_mode<synchronous>, transform_indices = @transform_5, window_bounds = array<i64: 2048, 16>}, {pipeline_mode = #tpu.pipeline_mode<synchronous>, transform_indices = @transform_6, window_bounds = array<i64: 1, 192>}]} {
    %get3A = arith.constant 0 : index
    %get3A_0 = arith.constant 0 : index
    %get3A_1 = vector.load %arg1[%get3A, %get3A_0] : memref<2048x768xf32, #tpu.memory_space<vmem>>, vector<2048x768xf32>
    %get3A_2 = arith.constant 0 : index
    %get3A_3 = arith.constant 0 : index
    %get3A_4 = vector.load %arg2[%get3A_2, %get3A_3] : memref<8x768xf32, #tpu.memory_space<vmem>>, vector<8x768xf32>
    %dot_general3A = arith.constant dense<0.000000e+00> : vector<2048x8xf32>
    %dot_general3A_5 = tpu.matmul %get3A_1, %get3A_4, %dot_general3A {dimension_numbers = #tpu.dot_dimension_numbers<[1], [1], [0], [0], [0, 0, 1, 0], [], []>, transpose_lhs_hint = false} : vector<2048x768xf32>, vector<8x768xf32>, vector<2048x8xf32> -> vector<2048x8xf32>
    %reduce_max3A = arith.constant dense<0xFF800000> : vector<2048xf32>
    %reduce_max3A_6 = vector.multi_reduction <maximumf>, %dot_general3A_5, %reduce_max3A [1] : vector<2048x8xf32> to vector<2048xf32>
    %broadcast_in_dim3A = vector.shape_cast %reduce_max3A_6 : vector<2048xf32> to vector<2048x1xf32>
    %sub3A = vector.broadcast %broadcast_in_dim3A : vector<2048x1xf32> to vector<2048x8xf32>
    %sub3A_7 = arith.subf %dot_general3A_5, %sub3A : vector<2048x8xf32>
    %exp3A = math.exp %sub3A_7 : vector<2048x8xf32>
    %reduce_sum3A = arith.constant dense<0.000000e+00> : vector<2048xf32>
    %reduce_sum3A_8 = vector.multi_reduction <add>, %exp3A, %reduce_sum3A [1] : vector<2048x8xf32> to vector<2048xf32>
    %broadcast_in_dim3A_9 = vector.shape_cast %reduce_sum3A_8 : vector<2048xf32> to vector<2048x1xf32>
    %div3A = vector.broadcast %broadcast_in_dim3A_9 : vector<2048x1xf32> to vector<2048x8xf32>
    %div3A_10 = arith.divf %exp3A, %div3A : vector<2048x8xf32>
    %iota3A = tpu.iota {dimensions = array<i32: 1>} : vector<2048x8xi32>
    %reduce_max3A_11 = arith.constant dense<0xFF800000> : vector<2048xf32>
    %reduce_max3A_12 = vector.multi_reduction <maximumf>, %div3A_10, %reduce_max3A_11 [1] : vector<2048x8xf32> to vector<2048xf32>
    %broadcast_in_dim3A_13 = vector.shape_cast %reduce_max3A_12 : vector<2048xf32> to vector<2048x1xf32>
    %eq3A = vector.broadcast %broadcast_in_dim3A_13 : vector<2048x1xf32> to vector<2048x8xf32>
    %eq3A_14 = arith.cmpf oeq, %div3A_10, %eq3A : vector<2048x8xf32>
    %jit3A = arith.constant 1000 : i32
    %broadcast_in_dim3A_15 = vector.broadcast %jit3A : i32 to vector<2048x8xi32>
    %select_n3A = arith.select %eq3A_14, %iota3A, %broadcast_in_dim3A_15 : vector<2048x8xi1>, vector<2048x8xi32>
    %reduce_min3A = arith.constant dense<2147483647> : vector<2048xi32>
    %reduce_min3A_16 = vector.multi_reduction <minsi>, %select_n3A, %reduce_min3A [1] : vector<2048x8xi32> to vector<2048xi32>
    %broadcast_in_dim3A_17 = vector.shape_cast %reduce_min3A_16 : vector<2048xi32> to vector<2048x1xi32>
    %eq3A_18 = vector.broadcast %broadcast_in_dim3A_17 : vector<2048x1xi32> to vector<2048x8xi32>
    %eq3A_19 = arith.cmpi eq, %iota3A, %eq3A_18 : vector<2048x8xi32>
    %jit3A_20 = arith.constant -1.000000e+00 : f32
    %broadcast_in_dim3A_21 = vector.broadcast %jit3A_20 : f32 to vector<2048x8xf32>
    %select_n3A_22 = arith.select %eq3A_19, %broadcast_in_dim3A_21, %div3A_10 : vector<2048x8xi1>, vector<2048x8xf32>
    %reduce_max3A_23 = arith.constant dense<0xFF800000> : vector<2048xf32>
    %reduce_max3A_24 = vector.multi_reduction <maximumf>, %select_n3A_22, %reduce_max3A_23 [1] : vector<2048x8xf32> to vector<2048xf32>
    %broadcast_in_dim3A_25 = vector.shape_cast %reduce_max3A_24 : vector<2048xf32> to vector<2048x1xf32>
    %eq3A_26 = vector.broadcast %broadcast_in_dim3A_25 : vector<2048x1xf32> to vector<2048x8xf32>
    %eq3A_27 = arith.cmpf oeq, %select_n3A_22, %eq3A_26 : vector<2048x8xf32>
    %jit3A_28 = arith.constant 1000 : i32
    %broadcast_in_dim3A_29 = vector.broadcast %jit3A_28 : i32 to vector<2048x8xi32>
    %select_n3A_30 = arith.select %eq3A_27, %iota3A, %broadcast_in_dim3A_29 : vector<2048x8xi1>, vector<2048x8xi32>
    %reduce_min3A_31 = arith.constant dense<2147483647> : vector<2048xi32>
    %reduce_min3A_32 = vector.multi_reduction <minsi>, %select_n3A_30, %reduce_min3A_31 [1] : vector<2048x8xi32> to vector<2048xi32>
    %broadcast_in_dim3A_33 = vector.shape_cast %reduce_min3A_32 : vector<2048xi32> to vector<2048x1xi32>
    %add3A = arith.addf %broadcast_in_dim3A_13, %broadcast_in_dim3A_25 : vector<2048x1xf32>
    %add3A_34 = arith.constant 9.99999968E-21 : f32
    %add3A_35 = vector.broadcast %add3A_34 : f32 to vector<2048x1xf32>
    %add3A_36 = arith.addf %add3A, %add3A_35 : vector<2048x1xf32>
    %div3A_37 = arith.divf %broadcast_in_dim3A_13, %add3A_36 : vector<2048x1xf32>
    %broadcast_in_dim3A_38 = vector.shape_cast %div3A_37 : vector<2048x1xf32> to vector<2048x1xf32>
    %broadcast_in_dim3A_39 = vector.broadcast %broadcast_in_dim3A_38 : vector<2048x1xf32> to vector<2048x16xf32>
    %swap3A = arith.constant 0 : index
    %swap3A_40 = arith.constant 0 : index
    %swap3A_41 = vector.load %arg5[%swap3A, %swap3A_40] : memref<2048x16xf32, #tpu.memory_space<vmem>>, vector<2048x16xf32>
    tpu.vector_store %arg5[%swap3A, %swap3A_40], %broadcast_in_dim3A_39 {strides = array<i32>} : memref<2048x16xf32, #tpu.memory_space<vmem>>, vector<2048x16xf32>,
    %div3A_42 = arith.divf %broadcast_in_dim3A_25, %add3A_36 : vector<2048x1xf32>
    %broadcast_in_dim3A_43 = vector.shape_cast %div3A_42 : vector<2048x1xf32> to vector<2048x1xf32>
    %broadcast_in_dim3A_44 = vector.broadcast %broadcast_in_dim3A_43 : vector<2048x1xf32> to vector<2048x16xf32>
    %swap3A_45 = arith.constant 0 : index
    %swap3A_46 = arith.constant 0 : index
    %swap3A_47 = vector.load %arg6[%swap3A_45, %swap3A_46] : memref<2048x16xf32, #tpu.memory_space<vmem>>, vector<2048x16xf32>
    tpu.vector_store %arg6[%swap3A_45, %swap3A_46], %broadcast_in_dim3A_44 {strides = array<i32>} : memref<2048x16xf32, #tpu.memory_space<vmem>>, vector<2048x16xf32>,
    %eq3A_48 = vector.broadcast %broadcast_in_dim3A_17 : vector<2048x1xi32> to vector<2048x8xi32>
    %eq3A_49 = arith.cmpi eq, %iota3A, %eq3A_48 : vector<2048x8xi32>
    %eq3A_50 = vector.broadcast %broadcast_in_dim3A_33 : vector<2048x1xi32> to vector<2048x8xi32>
    %eq3A_51 = arith.cmpi eq, %iota3A, %eq3A_50 : vector<2048x8xi32>
    %or3A = arith.ori %eq3A_49, %eq3A_51 : vector<2048x8xi1>
    %convert_element_type3A = arith.extui %or3A : vector<2048x8xi1> to vector<2048x8xi32>
    %convert_element_type3A_52 = arith.sitofp %convert_element_type3A : vector<2048x8xi32> to vector<2048x8xf32>
    %swap3A_53 = arith.constant 0 : index
    %swap3A_54 = arith.constant 0 : index
    %swap3A_55 = vector.load %arg8[%swap3A_53, %swap3A_54] : memref<2048x8xf32, #tpu.memory_space<vmem>>, vector<2048x8xf32>
    tpu.vector_store %arg8[%swap3A_53, %swap3A_54], %convert_element_type3A_52 {strides = array<i32>} : memref<2048x8xf32, #tpu.memory_space<vmem>>, vector<2048x8xf32>,
    %iota3A_56 = tpu.iota {dimensions = array<i32: 1>} : vector<256x256xi32>
    %iota3A_57 = tpu.iota {dimensions = array<i32: 0>} : vector<256x256xi32>
    %lt3A = arith.cmpi slt, %iota3A_56, %iota3A_57 : vector<256x256xi32>
    %convert_element_type3A_58 = arith.extui %lt3A : vector<256x256xi1> to vector<256x256xi32>
    %convert_element_type3A_59 = arith.sitofp %convert_element_type3A_58 : vector<256x256xi32> to vector<256x256xf32>
    %broadcast_in_dim3A_60 = arith.constant 0.000000e+00 : f32
    %broadcast_in_dim3A_61 = vector.broadcast %broadcast_in_dim3A_60 : f32 to vector<1x8xf32>
    %scan3A = arith.constant 0 : i32
    %scan3A_62 = arith.constant 8 : i32
    %scan3A_63 = arith.addi %scan3A, %scan3A_62 : i32
    %scan3A_64 = arith.constant 1 : i32
    %scan3A_65 = scf.for %scan3A_190 = %scan3A to %scan3A_63 step %scan3A_64 iter_args(%scan3A_191 = %broadcast_in_dim3A_61) -> (vector<1x8xf32>)  : i32 {
      %mul3A_192 = arith.constant 256 : i32
      %mul3A_193 = arith.muli %scan3A_190, %mul3A_192 : i32
      %get3A_194 = arith.index_cast %mul3A_193 : i32 to index
      %get3A_195 = arith.constant 0 : index
      %get3A_196 = vector.load %arg8[%get3A_194, %get3A_195] : memref<2048x8xf32, #tpu.memory_space<vmem>>, vector<256x8xf32>
      %dot_general3A_197 = arith.constant dense<0.000000e+00> : vector<256x8xf32>
      %dot_general3A_198 = tpu.matmul %convert_element_type3A_59, %get3A_196, %dot_general3A_197 {dimension_numbers = #tpu.dot_dimension_numbers<[1], [0], [0], [1], [0, 0, 1, 1], [], []>, transpose_lhs_hint = false} : vector<256x256xf32>, vector<256x8xf32>, vector<256x8xf32> -> vector<256x8xf32>
      %broadcast_in_dim3A_199 = vector.shape_cast %scan3A_191 : vector<1x8xf32> to vector<1x8xf32>
      %broadcast_in_dim3A_200 = vector.broadcast %broadcast_in_dim3A_199 : vector<1x8xf32> to vector<256x8xf32>
      %add3A_201 = arith.addf %dot_general3A_198, %broadcast_in_dim3A_200 : vector<256x8xf32>
      %mul3A_202 = arith.constant 256 : i32
      %mul3A_203 = arith.muli %scan3A_190, %mul3A_202 : i32
      %swap3A_204 = arith.index_cast %mul3A_203 : i32 to index
      %swap3A_205 = arith.constant 0 : index
      %swap3A_206 = vector.load %arg9[%swap3A_204, %swap3A_205] : memref<2048x8xf32, #tpu.memory_space<vmem>>, vector<256x8xf32>
      tpu.vector_store %arg9[%swap3A_204, %swap3A_205], %add3A_201 {strides = array<i32>} : memref<2048x8xf32, #tpu.memory_space<vmem>>, vector<256x8xf32>,
      %reduce_sum3A_207 = arith.constant dense<0.000000e+00> : vector<8xf32>
      %reduce_sum3A_208 = vector.multi_reduction <add>, %get3A_196, %reduce_sum3A_207 [0] : vector<256x8xf32> to vector<8xf32>
      %broadcast_in_dim3A_209 = vector.shape_cast %reduce_sum3A_208 : vector<8xf32> to vector<1x8xf32>
      %add3A_210 = arith.addf %scan3A_191, %broadcast_in_dim3A_209 : vector<1x8xf32>
      scf.yield %add3A_210 : vector<1x8xf32>
    }
    %scan3A_66 = arith.constant 8 : i32
    %get3A_67 = arith.constant 0 : index
    %get3A_68 = arith.constant 0 : index
    %get3A_69 = vector.load %arg9[%get3A_67, %get3A_68] : memref<2048x8xf32, #tpu.memory_space<vmem>>, vector<2048x8xf32>
    %eq3A_70 = vector.broadcast %broadcast_in_dim3A_17 : vector<2048x1xi32> to vector<2048x8xi32>
    %eq3A_71 = arith.cmpi eq, %iota3A, %eq3A_70 : vector<2048x8xi32>
    %convert_element_type3A_72 = arith.extui %eq3A_71 : vector<2048x8xi1> to vector<2048x8xi32>
    %convert_element_type3A_73 = arith.sitofp %convert_element_type3A_72 : vector<2048x8xi32> to vector<2048x8xf32>
    %mul3A = arith.mulf %get3A_69, %convert_element_type3A_73 : vector<2048x8xf32>
    %reduce_sum3A_74 = arith.constant dense<0.000000e+00> : vector<2048xf32>
    %reduce_sum3A_75 = vector.multi_reduction <add>, %mul3A, %reduce_sum3A_74 [1] : vector<2048x8xf32> to vector<2048xf32>
    %broadcast_in_dim3A_76 = vector.shape_cast %reduce_sum3A_75 : vector<2048xf32> to vector<2048x1xf32>
    %eq3A_77 = vector.broadcast %broadcast_in_dim3A_33 : vector<2048x1xi32> to vector<2048x8xi32>
    %eq3A_78 = arith.cmpi eq, %iota3A, %eq3A_77 : vector<2048x8xi32>
    %convert_element_type3A_79 = arith.extui %eq3A_78 : vector<2048x8xi1> to vector<2048x8xi32>
    %convert_element_type3A_80 = arith.sitofp %convert_element_type3A_79 : vector<2048x8xi32> to vector<2048x8xf32>
    %mul3A_81 = arith.mulf %get3A_69, %convert_element_type3A_80 : vector<2048x8xf32>
    %reduce_sum3A_82 = arith.constant dense<0.000000e+00> : vector<2048xf32>
    %reduce_sum3A_83 = vector.multi_reduction <add>, %mul3A_81, %reduce_sum3A_82 [1] : vector<2048x8xf32> to vector<2048xf32>
    %broadcast_in_dim3A_84 = vector.shape_cast %reduce_sum3A_83 : vector<2048xf32> to vector<2048x1xf32>
    %mul3A_85 = arith.constant 2048 : i32
    %mul3A_86 = vector.broadcast %mul3A_85 : i32 to vector<2048x1xi32>
    %mul3A_87 = arith.muli %broadcast_in_dim3A_17, %mul3A_86 : vector<2048x1xi32>
    %convert_element_type3A_88 = arith.fptosi %broadcast_in_dim3A_76 : vector<2048x1xf32> to vector<2048x1xi32>
    %add3A_89 = arith.addi %mul3A_87, %convert_element_type3A_88 : vector<2048x1xi32>
    %swap3A_90 = arith.constant 0 : index
    %swap3A_91 = arith.constant 0 : index
    %swap3A_92 = vector.load %arg3[%swap3A_90, %swap3A_91] : memref<2048x1xi32, #tpu.memory_space<vmem>>, vector<2048x1xi32>
    tpu.vector_store %arg3[%swap3A_90, %swap3A_91], %add3A_89 {strides = array<i32>} : memref<2048x1xi32, #tpu.memory_space<vmem>>, vector<2048x1xi32>,
    %mul3A_93 = arith.constant 2048 : i32
    %mul3A_94 = vector.broadcast %mul3A_93 : i32 to vector<2048x1xi32>
    %mul3A_95 = arith.muli %broadcast_in_dim3A_33, %mul3A_94 : vector<2048x1xi32>
    %convert_element_type3A_96 = arith.fptosi %broadcast_in_dim3A_84 : vector<2048x1xf32> to vector<2048x1xi32>
    %add3A_97 = arith.addi %mul3A_95, %convert_element_type3A_96 : vector<2048x1xi32>
    %swap3A_98 = arith.constant 0 : index
    %swap3A_99 = arith.constant 0 : index
    %swap3A_100 = vector.load %arg4[%swap3A_98, %swap3A_99] : memref<2048x1xi32, #tpu.memory_space<vmem>>, vector<2048x1xi32>
    tpu.vector_store %arg4[%swap3A_98, %swap3A_99], %add3A_97 {strides = array<i32>} : memref<2048x1xi32, #tpu.memory_space<vmem>>, vector<2048x1xi32>,
    %convert_element_type3A_101 = arith.fptosi %scan3A_65 : vector<1x8xf32> to vector<1x8xi32>
    %add3A_102 = arith.constant 512 : i32
    %add3A_103 = vector.broadcast %add3A_102 : i32 to vector<1x8xi32>
    %add3A_104 = arith.addi %convert_element_type3A_101, %add3A_103 : vector<1x8xi32>
    %sub3A_105 = arith.constant 1 : i32
    %sub3A_106 = vector.broadcast %sub3A_105 : i32 to vector<1x8xi32>
    %sub3A_107 = arith.subi %add3A_104, %sub3A_106 : vector<1x8xi32>
    %jit3A_108 = arith.constant 512 : i32
    %div3A_109 = vector.broadcast %jit3A_108 : i32 to vector<1x8xi32>
    %div3A_110 = arith.divsi %sub3A_107, %div3A_109 : vector<1x8xi32>
    %sign3A = arith.constant 0 : i32
    %sign3A_111 = vector.broadcast %sign3A : i32 to vector<1x8xi32>
    %sign3A_112 = arith.cmpi sgt, %sub3A_107, %sign3A_111 : vector<1x8xi32>
    %sign3A_113 = arith.extui %sign3A_112 : vector<1x8xi1> to vector<1x8xi32>
    %sign3A_114 = arith.constant 0 : i32
    %sign3A_115 = vector.broadcast %sign3A_114 : i32 to vector<1x8xi32>
    %sign3A_116 = arith.cmpi slt, %sub3A_107, %sign3A_115 : vector<1x8xi32>
    %sign3A_117 = arith.extui %sign3A_116 : vector<1x8xi1> to vector<1x8xi32>
    %sign3A_118 = arith.subi %sign3A_113, %sign3A_117 : vector<1x8xi32>
    %sign3A_119 = arith.constant 0 : i32
    %sign3A_120 = arith.cmpi sgt, %jit3A_108, %sign3A_119 : i32
    %sign3A_121 = arith.extui %sign3A_120 : i1 to i32
    %sign3A_122 = arith.constant 0 : i32
    %sign3A_123 = arith.cmpi slt, %jit3A_108, %sign3A_122 : i32
    %sign3A_124 = arith.extui %sign3A_123 : i1 to i32
    %sign3A_125 = arith.subi %sign3A_121, %sign3A_124 : i32
    %ne3A = vector.broadcast %sign3A_125 : i32 to vector<1x8xi32>
    %ne3A_126 = arith.cmpi ne, %sign3A_118, %ne3A : vector<1x8xi32>
    %rem3A = vector.broadcast %jit3A_108 : i32 to vector<1x8xi32>
    %rem3A_127 = arith.remsi %sub3A_107, %rem3A : vector<1x8xi32>
    %ne3A_128 = arith.constant 0 : i32
    %ne3A_129 = vector.broadcast %ne3A_128 : i32 to vector<1x8xi32>
    %ne3A_130 = arith.cmpi ne, %rem3A_127, %ne3A_129 : vector<1x8xi32>
    %and3A = arith.andi %ne3A_126, %ne3A_130 : vector<1x8xi1>
    %sub3A_131 = arith.constant 1 : i32
    %sub3A_132 = vector.broadcast %sub3A_131 : i32 to vector<1x8xi32>
    %sub3A_133 = arith.subi %div3A_110, %sub3A_132 : vector<1x8xi32>
    %select_n3A_134 = arith.select %and3A, %sub3A_133, %div3A_110 : vector<1x8xi1>, vector<1x8xi32>
    %iota3A_135 = tpu.iota {dimensions = array<i32: 0>} : vector<8x8xi32>
    %iota3A_136 = tpu.iota {dimensions = array<i32: 1>} : vector<8x8xi32>
    %le3A = arith.cmpi sle, %iota3A_135, %iota3A_136 : vector<8x8xi32>
    %convert_element_type3A_137 = arith.extui %le3A : vector<8x8xi1> to vector<8x8xi32>
    %convert_element_type3A_138 = arith.sitofp %convert_element_type3A_137 : vector<8x8xi32> to vector<8x8xf32>
    %convert_element_type3A_139 = arith.sitofp %select_n3A_134 : vector<1x8xi32> to vector<1x8xf32>
    %dot_general3A_140 = arith.constant dense<0.000000e+00> : vector<1x8xf32>
    %dot_general3A_141 = tpu.matmul %convert_element_type3A_139, %convert_element_type3A_138, %dot_general3A_140 {dimension_numbers = #tpu.dot_dimension_numbers<[1], [0], [0], [1], [0, 0, 1, 1], [], []>, transpose_lhs_hint = false} : vector<1x8xf32>, vector<8x8xf32>, vector<1x8xf32> -> vector<1x8xf32>
    %convert_element_type3A_142 = arith.fptosi %dot_general3A_141 : vector<1x8xf32> to vector<1x8xi32>
    %slice3A = vector.extract_strided_slice %convert_element_type3A_142 {offsets = [0, 7], sizes = [1, 1], strides = [1, 1]} : vector<1x8xi32> to vector<1x1xi32>
    %iota3A_143 = tpu.iota {dimensions = array<i32: 1>} : vector<1x64xi32>
    %sub3A_144 = arith.constant 1 : i32
    %sub3A_145 = vector.broadcast %sub3A_144 : i32 to vector<1x1xi32>
    %sub3A_146 = arith.subi %slice3A, %sub3A_145 : vector<1x1xi32>
    %min3A = vector.broadcast %sub3A_146 : vector<1x1xi32> to vector<1x64xi32>
    %min3A_147 = arith.minsi %iota3A_143, %min3A : vector<1x64xi32>
    %broadcast_in_dim3A_148 = vector.shape_cast %min3A_147 : vector<1x64xi32> to vector<1x64xi32>
    %broadcast_in_dim3A_149 = vector.broadcast %broadcast_in_dim3A_148 : vector<1x64xi32> to vector<8x64xi32>
    %convert_element_type3A_150 = arith.sitofp %convert_element_type3A_142 : vector<1x8xi32> to vector<1x8xf32>
    %transpose3A = tpu.transpose %convert_element_type3A_150, [1, 0] : vector<1x8xf32> -> vector<8x1xf32>
    %convert_element_type3A_151 = arith.fptosi %transpose3A : vector<8x1xf32> to vector<8x1xi32>
    %broadcast_in_dim3A_152 = vector.shape_cast %convert_element_type3A_151 : vector<8x1xi32> to vector<8x1xi32>
    %broadcast_in_dim3A_153 = vector.broadcast %broadcast_in_dim3A_152 : vector<8x1xi32> to vector<8x64xi32>
    %ge3A = arith.cmpi sge, %broadcast_in_dim3A_149, %broadcast_in_dim3A_153 : vector<8x64xi32>
    %convert_element_type3A_154 = arith.extui %ge3A : vector<8x64xi1> to vector<8x64xi32>
    %reduce_sum3A_155 = arith.constant dense<0> : vector<64xi32>
    %reduce_sum3A_156 = vector.multi_reduction <add>, %convert_element_type3A_154, %reduce_sum3A_155 [0] : vector<8x64xi32> to vector<64xi32>
    %broadcast_in_dim3A_157 = vector.shape_cast %reduce_sum3A_156 : vector<64xi32> to vector<1x64xi32>
    %convert_element_type3A_158 = arith.sitofp %select_n3A_134 : vector<1x8xi32> to vector<1x8xf32>
    %transpose3A_159 = tpu.transpose %convert_element_type3A_158, [1, 0] : vector<1x8xf32> -> vector<8x1xf32>
    %convert_element_type3A_160 = arith.fptosi %transpose3A_159 : vector<8x1xf32> to vector<8x1xi32>
    %broadcast_in_dim3A_161 = vector.shape_cast %convert_element_type3A_160 : vector<8x1xi32> to vector<8x1xi32>
    %broadcast_in_dim3A_162 = vector.broadcast %broadcast_in_dim3A_161 : vector<8x1xi32> to vector<8x64xi32>
    %sub3A_163 = arith.subi %broadcast_in_dim3A_153, %broadcast_in_dim3A_162 : vector<8x64xi32>
    %iota3A_164 = tpu.iota {dimensions = array<i32: 0>} : vector<8x64xi32>
    %broadcast_in_dim3A_165 = vector.shape_cast %broadcast_in_dim3A_157 : vector<1x64xi32> to vector<1x64xi32>
    %broadcast_in_dim3A_166 = vector.broadcast %broadcast_in_dim3A_165 : vector<1x64xi32> to vector<8x64xi32>
    %eq3A_167 = arith.cmpi eq, %iota3A_164, %broadcast_in_dim3A_166 : vector<8x64xi32>
    %jit3A_168 = arith.constant 0 : i32
    %broadcast_in_dim3A_169 = vector.broadcast %jit3A_168 : i32 to vector<8x64xi32>
    %select_n3A_170 = arith.select %eq3A_167, %sub3A_163, %broadcast_in_dim3A_169 : vector<8x64xi1>, vector<8x64xi32>
    %reduce_sum3A_171 = arith.constant dense<0> : vector<64xi32>
    %reduce_sum3A_172 = vector.multi_reduction <add>, %select_n3A_170, %reduce_sum3A_171 [0] : vector<8x64xi32> to vector<64xi32>
    %broadcast_in_dim3A_173 = vector.shape_cast %reduce_sum3A_172 : vector<64xi32> to vector<1x64xi32>
    %mul3A_174 = arith.constant 4 : i32
    %mul3A_175 = vector.broadcast %mul3A_174 : i32 to vector<1x64xi32>
    %mul3A_176 = arith.muli %broadcast_in_dim3A_157, %mul3A_175 : vector<1x64xi32>
    %sub3A_177 = arith.subi %min3A_147, %broadcast_in_dim3A_173 : vector<1x64xi32>
    %add3A_178 = arith.addi %mul3A_176, %sub3A_177 : vector<1x64xi32>
    %swap3A_179 = arith.constant 0 : index
    %swap3A_180 = arith.constant 0 : index
    %swap3A_181 = vector.load %arg7[%swap3A_179, %swap3A_180] : memref<1x192xi32, #tpu.memory_space<vmem>>, vector<1x64xi32>
    tpu.vector_store %arg7[%swap3A_179, %swap3A_180], %broadcast_in_dim3A_157 {strides = array<i32>} : memref<1x192xi32, #tpu.memory_space<vmem>>, vector<1x64xi32>,
    %swap3A_182 = arith.constant 0 : index
    %swap3A_183 = arith.constant 64 : index
    %swap3A_184 = vector.load %arg7[%swap3A_182, %swap3A_183] : memref<1x192xi32, #tpu.memory_space<vmem>>, vector<1x64xi32>
    tpu.vector_store %arg7[%swap3A_182, %swap3A_183], %add3A_178 {strides = array<i32>} : memref<1x192xi32, #tpu.memory_space<vmem>>, vector<1x64xi32>,
    %broadcast_in_dim3A_185 = vector.shape_cast %slice3A : vector<1x1xi32> to vector<1x1xi32>
    %broadcast_in_dim3A_186 = vector.broadcast %broadcast_in_dim3A_185 : vector<1x1xi32> to vector<1x64xi32>
    %swap3A_187 = arith.constant 0 : index
    %swap3A_188 = arith.constant 128 : index
    %swap3A_189 = vector.load %arg7[%swap3A_187, %swap3A_188] : memref<1x192xi32, #tpu.memory_space<vmem>>, vector<1x64xi32>
    tpu.vector_store %arg7[%swap3A_187, %swap3A_188], %broadcast_in_dim3A_186 {strides = array<i32>} : memref<1x192xi32, #tpu.memory_space<vmem>>, vector<1x64xi32>,
    return
  }
  func.func @transform_0(%arg0: i32) -> (i32, i32) {
    %c0_i32 = arith.constant 0 : i32
    %c0_i32_0 = arith.constant 0 : i32
    %c0_i32_1 = arith.constant 0 : i32
    return %c0_i32, %c0_i32_0 : i32, i32
  }
  func.func @transform_1(%arg0: i32) -> (i32, i32) {
    %c0_i32 = arith.constant 0 : i32
    %c0_i32_0 = arith.constant 0 : i32
    %c0_i32_1 = arith.constant 0 : i32
    return %c0_i32, %c0_i32_0 : i32, i32
  }
  func.func @transform_2(%arg0: i32) -> (i32, i32) {
    %c0_i32 = arith.constant 0 : i32
    %c0_i32_0 = arith.constant 0 : i32
    %c0_i32_1 = arith.constant 0 : i32
    return %c0_i32, %c0_i32_0 : i32, i32
  }
  func.func @transform_3(%arg0: i32) -> (i32, i32) {
    %c0_i32 = arith.constant 0 : i32
    %c0_i32_0 = arith.constant 0 : i32
    %c0_i32_1 = arith.constant 0 : i32
    return %c0_i32, %c0_i32_0 : i32, i32
  }
  func.func @transform_4(%arg0: i32) -> (i32, i32) {
    %c0_i32 = arith.constant 0 : i32
    %c0_i32_0 = arith.constant 0 : i32
    %c0_i32_1 = arith.constant 0 : i32
    return %c0_i32, %c0_i32_0 : i32, i32
  }
  func.func @transform_5(%arg0: i32) -> (i32, i32) {
    %c0_i32 = arith.constant 0 : i32
    %c0_i32_0 = arith.constant 0 : i32
    %c0_i32_1 = arith.constant 0 : i32
    return %c0_i32, %c0_i32_0 : i32, i32
  }
  func.func @transform_6(%arg0: i32) -> (i32, i32) {
    %c0_i32 = arith.constant 0 : i32
    %c0_i32_0 = arith.constant 0 : i32
    %c0_i32_1 = arith.constant 0 : i32
    return %c0_i32, %c0_i32_0 : i32, i32
  }
}

module attributes {stable_mosaic.version = 14 : i64} {
  func.func @_sffn_body(%arg0: i32, %arg1: memref<2048x768xf32, #tpu.memory_space<vmem>>, %arg2: memref<512x768xf32, #tpu.memory_space<vmem>>, %arg3: memref<512x768xf32, #tpu.memory_space<vmem>>, %arg4: memref<768x512xf32, #tpu.memory_space<vmem>>, %arg5: memref<2048x768xf32, #tpu.memory_space<vmem>>) attributes {dimension_semantics = [#tpu.dimension_semantics<arbitrary>], iteration_bounds = array<i64: 4>, scalar_prefetch = 0 : i64, scratch_operands = 0 : i64, tpu.core_type = #tpu.core_type<tc>, window_params = [{pipeline_mode = #tpu.pipeline_mode<synchronous>, transform_indices = @transform_0, window_bounds = array<i64: 2048, 768>}, {transform_indices = @transform_1, window_bounds = array<i64: 512, 768>}, {transform_indices = @transform_2, window_bounds = array<i64: 512, 768>}, {transform_indices = @transform_3, window_bounds = array<i64: 768, 512>}, {pipeline_mode = #tpu.pipeline_mode<synchronous>, transform_indices = @transform_4, window_bounds = array<i64: 2048, 768>}]} {
    %get3A = arith.constant 0 : index
    %get3A_0 = arith.constant 0 : index
    %get3A_1 = vector.load %arg1[%get3A, %get3A_0] : memref<2048x768xf32, #tpu.memory_space<vmem>>, vector<2048x768xf32>
    %get3A_2 = arith.constant 0 : index
    %get3A_3 = arith.constant 0 : index
    %get3A_4 = vector.load %arg2[%get3A_2, %get3A_3] : memref<512x768xf32, #tpu.memory_space<vmem>>, vector<512x768xf32>
    %get3A_5 = arith.constant 0 : index
    %get3A_6 = arith.constant 0 : index
    %get3A_7 = vector.load %arg3[%get3A_5, %get3A_6] : memref<512x768xf32, #tpu.memory_space<vmem>>, vector<512x768xf32>
    %get3A_8 = arith.constant 0 : index
    %get3A_9 = arith.constant 0 : index
    %get3A_10 = vector.load %arg4[%get3A_8, %get3A_9] : memref<768x512xf32, #tpu.memory_space<vmem>>, vector<768x512xf32>
    %dot_general3A = arith.constant dense<0.000000e+00> : vector<2048x512xf32>
    %dot_general3A_11 = tpu.matmul %get3A_1, %get3A_4, %dot_general3A {dimension_numbers = #tpu.dot_dimension_numbers<[1], [1], [0], [0], [0, 0, 1, 0], [], []>, transpose_lhs_hint = false} : vector<2048x768xf32>, vector<512x768xf32>, vector<2048x512xf32> -> vector<2048x512xf32>
    %dot_general3A_12 = arith.constant dense<0.000000e+00> : vector<2048x512xf32>
    %dot_general3A_13 = tpu.matmul %get3A_1, %get3A_7, %dot_general3A_12 {dimension_numbers = #tpu.dot_dimension_numbers<[1], [1], [0], [0], [0, 0, 1, 0], [], []>, transpose_lhs_hint = false} : vector<2048x768xf32>, vector<512x768xf32>, vector<2048x512xf32> -> vector<2048x512xf32>
    %logistic3A = arith.negf %dot_general3A_11 : vector<2048x512xf32>
    %logistic3A_14 = math.exp %logistic3A : vector<2048x512xf32>
    %logistic3A_15 = arith.constant 1.000000e+00 : f32
    %logistic3A_16 = vector.broadcast %logistic3A_15 : f32 to vector<2048x512xf32>
    %logistic3A_17 = arith.addf %logistic3A_16, %logistic3A_14 : vector<2048x512xf32>
    %logistic3A_18 = arith.divf %logistic3A_16, %logistic3A_17 : vector<2048x512xf32>
    %mul3A = arith.mulf %dot_general3A_11, %logistic3A_18 : vector<2048x512xf32>
    %mul3A_19 = arith.mulf %mul3A, %dot_general3A_13 : vector<2048x512xf32>
    %dot_general3A_20 = arith.constant dense<0.000000e+00> : vector<2048x768xf32>
    %dot_general3A_21 = tpu.matmul %mul3A_19, %get3A_10, %dot_general3A_20 {dimension_numbers = #tpu.dot_dimension_numbers<[1], [1], [0], [0], [0, 0, 1, 0], [], []>, transpose_lhs_hint = false} : vector<2048x512xf32>, vector<768x512xf32>, vector<2048x768xf32> -> vector<2048x768xf32>
    %eq3A = arith.constant 0 : i32
    %eq3A_22 = arith.cmpi eq, %arg0, %eq3A : i32
    %convert_element_type3A = arith.extui %eq3A_22 : i1 to i32
    %cond3A = arith.constant 0 : i32
    %cond3A_23 = arith.cmpi ne, %convert_element_type3A, %cond3A : i32
    scf.if %cond3A_23 {
      %swap3A = arith.constant 0 : index
      %swap3A_28 = arith.constant 0 : index
      %swap3A_29 = vector.load %arg5[%swap3A, %swap3A_28] : memref<2048x768xf32, #tpu.memory_space<vmem>>, vector<2048x768xf32>
      tpu.vector_store %arg5[%swap3A, %swap3A_28], %dot_general3A_21 {strides = array<i32>} : memref<2048x768xf32, #tpu.memory_space<vmem>>, vector<2048x768xf32>,
    } else {
    }
    %gt3A = arith.constant 0 : i32
    %gt3A_24 = arith.cmpi sgt, %arg0, %gt3A : i32
    %convert_element_type3A_25 = arith.extui %gt3A_24 : i1 to i32
    %cond3A_26 = arith.constant 0 : i32
    %cond3A_27 = arith.cmpi ne, %convert_element_type3A_25, %cond3A_26 : i32
    scf.if %cond3A_27 {
      %get3A_28 = arith.constant 0 : index
      %get3A_29 = arith.constant 0 : index
      %get3A_30 = vector.load %arg5[%get3A_28, %get3A_29] : memref<2048x768xf32, #tpu.memory_space<vmem>>, vector<2048x768xf32>
      %add3A = arith.addf %get3A_30, %dot_general3A_21 : vector<2048x768xf32>
      %swap3A = arith.constant 0 : index
      %swap3A_31 = arith.constant 0 : index
      %swap3A_32 = vector.load %arg5[%swap3A, %swap3A_31] : memref<2048x768xf32, #tpu.memory_space<vmem>>, vector<2048x768xf32>
      tpu.vector_store %arg5[%swap3A, %swap3A_31], %add3A {strides = array<i32>} : memref<2048x768xf32, #tpu.memory_space<vmem>>, vector<2048x768xf32>,
    } else {
    }
    return
  }
  func.func @transform_0(%arg0: i32) -> (i32, i32) {
    %c0_i32 = arith.constant 0 : i32
    %c0_i32_0 = arith.constant 0 : i32
    %c0_i32_1 = arith.constant 0 : i32
    return %c0_i32, %c0_i32_0 : i32, i32
  }
  func.func @transform_1(%arg0: i32) -> (i32, i32) {
    %c0_i32 = arith.constant 0 : i32
    %c0_i32_0 = arith.constant 0 : i32
    return %arg0, %c0_i32 : i32, i32
  }
  func.func @transform_2(%arg0: i32) -> (i32, i32) {
    %c0_i32 = arith.constant 0 : i32
    %c0_i32_0 = arith.constant 0 : i32
    return %arg0, %c0_i32 : i32, i32
  }
  func.func @transform_3(%arg0: i32) -> (i32, i32) {
    %c0_i32 = arith.constant 0 : i32
    %c0_i32_0 = arith.constant 0 : i32
    return %c0_i32, %arg0 : i32, i32
  }
  func.func @transform_4(%arg0: i32) -> (i32, i32) {
    %c0_i32 = arith.constant 0 : i32
    %c0_i32_0 = arith.constant 0 : i32
    %c0_i32_1 = arith.constant 0 : i32
    return %c0_i32, %c0_i32_0 : i32, i32
  }
}

module attributes {stable_mosaic.version = 14 : i64} {
  func.func @_add_body(%arg0: i32, %arg1: memref<512x768xf32, #tpu.memory_space<vmem>>, %arg2: memref<512x768xf32, #tpu.memory_space<vmem>>, %arg3: memref<512x768xf32, #tpu.memory_space<vmem>>) attributes {dimension_semantics = [#tpu.dimension_semantics<arbitrary>], iteration_bounds = array<i64: 4>, scalar_prefetch = 0 : i64, scratch_operands = 0 : i64, tpu.core_type = #tpu.core_type<tc>, window_params = [{transform_indices = @transform_0, window_bounds = array<i64: 512, 768>}, {transform_indices = @transform_1, window_bounds = array<i64: 512, 768>}, {transform_indices = @transform_2, window_bounds = array<i64: 512, 768>}]} {
    %get3A = arith.constant 0 : index
    %get3A_0 = arith.constant 0 : index
    %get3A_1 = vector.load %arg1[%get3A, %get3A_0] : memref<512x768xf32, #tpu.memory_space<vmem>>, vector<512x768xf32>
    %get3A_2 = arith.constant 0 : index
    %get3A_3 = arith.constant 0 : index
    %get3A_4 = vector.load %arg2[%get3A_2, %get3A_3] : memref<512x768xf32, #tpu.memory_space<vmem>>, vector<512x768xf32>
    %add3A = arith.addf %get3A_1, %get3A_4 : vector<512x768xf32>
    %swap3A = arith.constant 0 : index
    %swap3A_5 = arith.constant 0 : index
    %swap3A_6 = vector.load %arg3[%swap3A, %swap3A_5] : memref<512x768xf32, #tpu.memory_space<vmem>>, vector<512x768xf32>
    tpu.vector_store %arg3[%swap3A, %swap3A_5], %add3A {strides = array<i32>} : memref<512x768xf32, #tpu.memory_space<vmem>>, vector<512x768xf32>,
    return
  }
  func.func @transform_0(%arg0: i32) -> (i32, i32) {
    %c0_i32 = arith.constant 0 : i32
    %c0_i32_0 = arith.constant 0 : i32
    return %arg0, %c0_i32 : i32, i32
  }
  func.func @transform_1(%arg0: i32) -> (i32, i32) {
    %c0_i32 = arith.constant 0 : i32
    %c0_i32_0 = arith.constant 0 : i32
    return %arg0, %c0_i32 : i32, i32
  }
  func.func @transform_2(%arg0: i32) -> (i32, i32) {
    %c0_i32 = arith.constant 0 : i32
    %c0_i32_0 = arith.constant 0 : i32
    return %arg0, %c0_i32 : i32, i32
  }
}

</mosaic_0001>

<sc_bundles>
// kernel: kernel.11.cloned.1.call-start
scs
__scs_entry_jumppad:
0x0: {  	(pc) =	sbr.rel $0x88, $3  }
0x1: {  	(tag) =	ssettag $0x0;
	lr =	simm.s32 $0x1  }
0x2: {  	[smem:$0x3F99] =	sst lr;
	_ =	strace $0xD0000000  }
0x3: {  	_ = 	snop  }
0x4: {  	_ = 	snop  }
0x5: {  	_ = 	snop  }
0x6: {  	_ = 	snop  }
0x7: {  	_ = 	snop  }
__scs_overlays_trampoline_lowered:
0x8: {  	[smem:$0x3FA8] =	sst s0  }
0x9: {  	[smem:$0x3FA9] =	sst s1  }
0xa: {  	[smem:$0x3FAA] =	sst s2  }
0xb: {  	[smem:$0x3FAB] =	sst s3  }
0xc: {  	[smem:$0x3FAC] =	sst s4  }
0xd: {  	[smem:$0x3FAD] =	sst s5  }
0xe: {  	[smem:$0x3FAE] =	sst s6  }
0xf: {  	[smem:$0x3FAF] =	sst s7  }
0x10: {  	[smem:$0x3FB0] =	sst s8  }
0x11: {  	[smem:$0x3FB1] =	sst s9;
	s0 =	simm.s32 @!p0 $0x0  }
0x12: {  	s1 =	sld [smem:$0x3F97];
	s0 =	simm.s32 @p0 $0x1  }
0x13: {  	[smem:$0x3FB2] =	sst s0;
	s0 =	simm.s32 @!p1 $0x0  }
0x14: {  	s2 =	sld [smem:$0x3F96];
	s0 =	simm.s32 @p1 $0x1  }
0x15: {  	[smem:$0x3FB3] =	sst s0;
	s0 =	simm.s32 @!p2 $0x0  }
0x16: {  	s3 =	sld [smem:$0x3FDB];
	s0 =	simm.s32 @p2 $0x1  }
0x17: {  	s4 =	simm.s32 $0x1BF5;
	[smem:$0x3FB5] =	sst s0  }
0x18: {  	s0 =	sld [smem:$0x3F98];
	_ =	swait.ge [sflag:s4], $0x0  }
0x19: {  	s7 =	sld [smem:$0x3F99]  }
0x1a: {  	s8 =	sadd.s32 $0xFFFFE003, lr  }
0x1b: {  	s9 =	sadd.s32 $0xFFFFFEF7, lr;
	s5 =	simm.s32 $0xFFFFFFFF;
	p2 =	slt.u32 s8, $0xFFFFF086  }
0x1c: {  	p1 =	slt.u32 s9, $0xF7A;
	s5 =	simm.s32 @!p2 $0x0  }
0x1d: {  	s5 =	simm.s32 @p1 $0x1;
	p0 =	seq.s32 s7, s2  }
0x1e: {  	s7 =	smul.u32 @!p0 $0xF7A, s2;
	p2 =	seq.s32 @!p0 s5, $0x0  }
0x1f: {  	s9 =	smul.u32 $0xF7A, s1;
	s8 =	simm.s32 @!p0 $0x1BF5;
	p2 =	por !p2, p0  }
0x20: {  	[sflag:s8] =	ssyncset.s32 @!p0 $0xFFFFF086;
	s6 =	sadd.s32 @!p0 s3, s7;
	s7 =	simm.s32 @!p0 $0x108  }
0x21: {  	s3 =	sadd.s32 s3, s9;
	s6 =	sadd.s32 @!p0 $0x88, s6;
	s7 =	simm.s32 @p2 $0x1082  }
0x22: {  	[simem:s7], [sflag:s8] =	dma.local @!p0 [hbm:s6], $0xF7A  }
0x23: {  	s9 =	sor.u32 $0xD0000000, s2;
	s6 =	simm.s32 $0x108;
	_ =	swait.ge @!p0 [sflag:s8], $0x0  }
0x24: {  	s3 =	sadd.s32 $0x88, s3;
	s6 =	simm.s32 @!p1 $0x1082;
	[sflag:s4] =	ssyncset.s32 $0xFFFFF086  }
0x25: {  	[simem:s6], [sflag:s4] =	dma.local [hbm:s3], $0xF7A  }
0x26: {  	[smem:$0x3F99] =	sst s1;
	(tag) =	ssettag s2;
	_ =	strace s9  }
0x27: {  	s1 =	sld [smem:$0x3FA9]  }
0x28: {  	s2 =	sld [smem:$0x3FAA]  }
0x29: {  	s4 =	sld [smem:$0x3FAC]  }
0x2a: {  	p0 =	seq.s32 s5, $0x0;
	s5 =	sld [smem:$0x3FAD]  }
0x2b: {  	s6 =	sld [smem:$0x3FAE]  }
0x2c: {  	s7 =	sld [smem:$0x3FAF]  }
0x2d: {  	s3 =	simm.s32 $0x108;
	s8 =	sld [smem:$0x3FB0]  }
0x2e: {  	s3 =	simm.s32 @!p0 $0x1082;
	s9 =	sld [smem:$0x3FB1]  }
0x2f: {  	lr =	sadd.s32 s0, s3;
	s0 =	sld [smem:$0x3FA8]  }
0x30: {  	s3 =	sld [smem:$0x3FAB]  }
0x31: {  	[smem:$0x3FB4] =	sst s10  }
0x32: {  	s10 =	sld [smem:$0x3FB2];
	_ =	sdelay $0x3  }
0x33: {  	p0 =	seq.s32 s10, $0x1;
	s10 =	sld [smem:$0x3FB4];
	_ =	sdelay $0x3  }
0x34: {  	[smem:$0x3FB4] =	sst s10  }
0x35: {  	s10 =	sld [smem:$0x3FB3];
	_ =	sdelay $0x3  }
0x36: {  	p1 =	seq.s32 s10, $0x1;
	s10 =	sld [smem:$0x3FB4];
	_ =	sdelay $0x3  }
0x37: {  	[smem:$0x3FB4] =	sst s10  }
0x38: {  	s10 =	sld [smem:$0x3FB5]  }
0x39: {  	_ = 	snop;
	(pc) =	sbr.ind lr, $3  }
0x3a: {  	_ = 	snop  }
0x3b: {  	_ = 	snop  }
0x3c: {  	p2 =	seq.s32 s10, $0x1;
	s10 =	sld [smem:$0x3FB4]  }
0x3d: {  	_ =	shalt  }
0x3e: {  	_ =	shalt  }
0x3f: {  	_ =	shalt  }
0x40: {  	_ =	shalt  }
0x41: {  	_ =	shalt  }
0x42: {  	_ =	shalt  }
0x43: {  	_ =	shalt  }
0x44: {  	_ =	shalt  }
0x45: {  	_ =	shalt  }
0x46: {  	_ =	shalt  }
0x47: {  	_ =	shalt  }
0x48: {  	_ =	shalt  }
0x49: {  	_ =	shalt  }
0x4a: {  	_ =	shalt  }
0x4b: {  	_ =	shalt  }
0x4c: {  	_ =	shalt  }
0x4d: {  	_ =	shalt  }
0x4e: {  	_ =	shalt  }
0x4f: {  	_ =	shalt  }
0x50: {  	_ =	shalt  }
0x51: {  	_ =	shalt  }
0x52: {  	_ =	shalt  }
0x53: {  	_ =	shalt  }
0x54: {  	_ =	shalt  }
0x55: {  	_ =	shalt  }
0x56: {  	_ =	shalt  }
0x57: {  	_ =	shalt  }
0x58: {  	_ =	shalt  }
0x59: {  	_ =	shalt  }
0x5a: {  	_ =	shalt  }
0x5b: {  	_ =	shalt  }
0x5c: {  	_ =	shalt  }
0x5d: {  	_ =	shalt  }
0x5e: {  	_ =	shalt  }
0x5f: {  	_ =	shalt  }
0x60: {  	_ =	shalt  }
0x61: {  	_ =	shalt  }
0x62: {  	_ =	shalt  }
0x63: {  	_ =	shalt  }
0x64: {  	_ =	shalt  }
0x65: {  	_ =	shalt  }
0x66: {  	_ =	shalt  }
0x67: {  	_ =	shalt  }
0x68: {  	_ =	shalt  }
0x69: {  	_ =	shalt  }
0x6a: {  	_ =	shalt  }
0x6b: {  	_ =	shalt  }
0x6c: {  	_ =	shalt  }
0x6d: {  	_ =	shalt  }
0x6e: {  	_ =	shalt  }
0x6f: {  	_ =	shalt  }
0x70: {  	_ =	shalt  }
0x71: {  	_ =	shalt  }
0x72: {  	_ =	shalt  }
0x73: {  	_ =	shalt  }
0x74: {  	_ =	shalt  }
0x75: {  	_ =	shalt  }
0x76: {  	_ =	shalt  }
0x77: {  	_ =	shalt  }
0x78: {  	_ =	shalt  }
0x79: {  	_ =	shalt  }
0x7a: {  	_ =	shalt  }
0x7b: {  	_ =	shalt  }
0x7c: {  	_ =	shalt  }
0x7d: {  	_ =	shalt  }
0x7e: {  	_ =	shalt  }
0x7f: {  	_ =	shalt  }
0x80: {  	_ =	shalt  }
0x81: {  	_ =	shalt  }
0x82: {  	_ =	shalt  }
0x83: {  	_ =	shalt  }
0x84: {  	_ =	shalt  }
0x85: {  	_ =	shalt  }
0x86: {  	_ =	shalt  }
0x87: {  	_ =	shalt  }
.Lfunc_end0:
.L_simem_size_0:
called_computation.1_lowered:
.L_overlay_start_0:
0x88: {  	s2 =	sld [smem:$0x3FD9]  }
0x89: {  	s3 =	sld [smem:$0x3FFE];
	_ =	sdelay $0x1  }
0x8a: {  	s1 =	srdreg.scid  }
0x8b: {  	s0 =	sand.u32 $0x1, s1  }
0x8c: {  	s16 =	sshll.u32 s0, $0xA;
	s2 =	sadd.s32 s3, s2  }
0x8d: {  	s2 =	sadd.s32 s2, s16  }
0x8e: {  	[smem:$0x3FC0] =	sst s2  }
0x8f: {  	_ = 	snop  }
0x90: {  	(tm) =	ssettm $0x1  }
0x91: {  	s17 =	sld [smem:$0x3FFB];
	_ =	sdelay $0x3  }
0x92: {  	_ =	strace s17  }
0x93: {  	s2 =	sld [smem:$0x3FFC];
	_ =	sdelay $0x3  }
0x94: {  	_ =	strace s2  }
0x95: {  	s2 =	sld [smem:$0x3FFD];
	_ =	sdelay $0x3  }
0x96: {  	_ =	strace s2  }
0x97: {  	_ =	strace $0x8FFFFFFF  }
0x98: {  	s18 =	sld [smem:$0x3FDB];
	_ =	sdelay $0x1  }
0x99: {  	s19 =	simm.s32 $_scs_section_size  }
0x9a: {  	s4 =	simm.s32 $_size__tile_overlayer_lowered;
	s5 =	simm.s32 $_tile_overlayer_lowered  }
0x9b: {  	s22 =	simm.s32 $0x1BFF;
	s21 =	sshll.u32 s5, $0x1;
	s2 =	sadd.s32 s19, s18  }
0x9c: {  	s6 =	simm.s32 $0x0;
	s20 =	sshll.u32 s4, $0x1;
	s4 =	sadd.s32 s21, s2  }
0x9d: {  	[timem:s6], [sflag:s22] =	dma.local [hbm:s4], s20  }
0x9e: {  	_ =	swait.ge [sflag:s22], s20  }
0x9f: {  	s3 =	ssub.s32 $0x0, s20;
	[sflag:s22] =	ssyncset.done $0x0  }
0xa0: {  	[sflag:s22] =	ssyncadd.s32 s3;
	_ =	sdelay $0x1  }
0xa1: {  	s23 =	simm.s32 $0x1B8B  }
0xa2: {  	_ =	swait.ge [sflag:s23], $0x1  }
0xa3: {  	[sflag:s23] =	ssyncset.done $0x0  }
0xa4: {  	s25 =	simm.s32 $0x1B8E;
	s24 =	sld [smem:$0x3FFE];
	[sflag:s23] =	ssyncadd.s32 $0xFFFFFFFF  }
0xa5: {  	s26 =	simm.s32 $execute0_lowered;
	[smem:$0x3FD2] =	sst s25  }
0xa6: {  	s4 =	sshll.u32 s26, $0x1;
	_ =	strace $0x80000049;
	[dreg:$0x1] =	wrdreg $0xFFFFFFFF  }
0xa7: {  	s28 =	simm.s32 $_size_execute0_lowered;
	s2 =	sadd.s32 s2, s4;
	[dreg:$0x0] =	wrdreg $0x0  }
0xa8: {  	s4 =	sshll.u32 s28, $0x1;
	[dreg:$0x2] =	wrdreg s2  }
0xa9: {  	[dreg:$0x3] =	wrdreg s4  }
0xaa: {  	[dreg:$0x4] =	wrdreg $0xC0  }
0xab: {  	_ =	task [dreg:s6], $0x5FFFF  }
0xac: {  	[dreg:$0x1] =	wrdreg $0xFFFFFFFF  }
0xad: {  	[dreg:$0x0] =	wrdreg $0x60  }
0xae: {  	[dreg:$0x2] =	wrdreg s24  }
0xaf: {  	[dreg:$0x3] =	wrdreg $0x9  }
0xb0: {  	_ =	task.clear_ibuf [dreg:s6], $0x4FFFF;
	_ =	strace $0x90000049  }
0xb1: {  	s29 =	simm.s32 $0x9;
	_ =	strace $0x8000004B  }
0xb2: {  	_ =	swait.ge [sflag:s29], $0x1  }
0xb3: {  	[sflag:s29] =	ssyncadd.s32 $0xFFFFFFFF  }
0xb4: {  	_ =	strace $0x9000004B  }
0xb5: {  	_ =	sfence  }
0xb6: {  	s30 =	sld [smem:$0x0];
	_ =	sdelay $0x2  }
0xb7: {  	s31 =	sshll.u32 s1, $0xD;
	s1 =	sshrl.u32 s1, $0x2  }
0xb8: {  	s3 =	sand.u32 $0x4000, s31;
	s1 =	sadd.s32 s1, s30  }
0xb9: {  	s0 =	sor.u32 s3, s0;
	s1 =	sshll.u32 s1, $0x11  }
0xba: {  	s0 =	sor.u32 s1, s0  }
0xbb: {  	s0 =	sadd.s32 $0x8F2B, s0  }
0xbc: {  	[sflag:s0] =	ssyncadd.remote.s32 $0x1  }
0xbd: {  	_ =	sfence.sel $0xFFFF  }
0xbe: {  	[dreg:$0x0] =	wrdreg $0xFFFFFFFF;
	(pc) =	sbr.abs _section_cstart, $3  }
0xbf: {  	[dreg:$0x1] =	wrdreg $0xFFFFFFFF  }
0xc0: {  	_ =	task.clear_ibuf [dreg:s6], $0x2FFFF;
	_ =	strace $0x9FFFFFFF  }
0xc1: {  	(tm) =	ssettm $0x7FFFFFFF  }
tec
execute0_lowered:
.L_overlay_start_1:
0x0: {  	(tag) =	ssettag $0x1  }
0x1: {  	s0 =	rddreg [dreg:$0x0];
	s1 =	srdreg.scid  }
0x2: {  	s2 =	simm.s32 $0x0;
	s3 =	stileid.u32;
	s14 =	simm.s32 $0x4  }
0x3: {  	s20 =	simm.s32 $0x6000;
	s22 =	simm.s32 $0x16000;
	s23 =	simm.s32 $0x16800  }
0x4: {  	s24 =	simm.s32 $0x17000;
	s28 =	simm.s32 $0x1A100;
	s29 =	simm.s32 $0x1  }
0x5: {  	s30 =	simm.s32 $0x2;
	s31 =	simm.s32 $0x3;
	s1 =	sand.u32 $0x1, s1  }
0x6: {  	[smem:$0x7FF] =	sst s2;
	s3 =	sshll.u32 s3, $0x7;
	s10 =	sadd.s32 $0x18E00, s0  }
0x7: {  	s6 =	sadd.s32 $0x198F00, s0;
	s4 =	sshll.u32 s1, $0x6;
	_ =	strace $0x8000004A  }
0x8: {  	s1 =	ssub.s32 $0x2, s1;
	s4 =	sor.u32 s4, s3;
	s3 =	sadd.s32 $0x198E00, s0  }
0x9: {  	s25 =	sshrl.u32 s1, $0x1;
	s7 =	sshrl.u32 s4, $0x3;
	s4 =	sshll.u32 s4, $0x4  }
0xa: {  	s1 =	ssub.s32 s1, s25;
	s25 =	simm.s32 $0x17800;
	s8 =	smul.u32 $0x1800, s7  }
0xb: {  	s5 =	sadd.s32 s7, s0;
	s9 =	sadd.s32 s4, s0;
	s11 =	smul.u32 $0x300, s7  }
0xc: {  	s7 =	sadd.s32 $0x199000, s0;
	s0 =	simm.s32 $0x0;
	s4 =	sadd.s32 $0x18A00, s5  }
0xd: {  	v2 =	vlaneseq.u32;
	s5 =	sadd.s32 $0x18C00, s5;
	s12 =	sshrl.u32 s8, $0x3;
	s8 =	sadd.s32 $0x8A00, s9  }
0xe: {  	vm0 =	vmmov $0xffff;
	v1 =	vshrl.u32 v2, $0x3;
	s9 =	sadd.s32 $0x10A00, s9;
	s26 =	sadd.s32 s10, s12;
	s10 =	sadd.s32 s10, s11  }
0xf: {  	v0 =	vand.u32 $0x7, v2;
	v2 =	vor.u32 $0x8, v2;
	v1 =	vmul.u32 $0x8, v1;
	s12 =	smax.u32 s1, $0x1;
	s11 =	sadd.s32 $0xC00, s26;
	s26 =	simm.s32 $0x18100  }
.LBB2_1:
0x10: {  	s1 =	simm.s32 $0x18000  }
0x11: {  	[tilespmem:s1], [sflag:$0x4] =	stream.linear.gather [hbm4b:s4+s2], $0x40, $0x38;
	[tilespmem:$0x1C100] =	vst v63  }
0x12: {  	_ =	swait.ge [sflag:s14], $0x40  }
0x13: {  	[sflag:s14] =	ssyncset.done $0x0  }
0x14: {  	s21 =	simm.s32 $0x18080;
	[sflag:s14] =	ssyncadd.s32 $0xFFFFFFC0  }
0x15: {  	[tilespmem:s21], [sflag:$0x4] =	stream.linear.gather [hbm4b:s5+s2], $0x40, $0x38;
	[tilespmem:$0x1C100] =	vst v63  }
0x16: {  	_ =	swait.ge [sflag:s14], $0x40  }
0x17: {  	[sflag:s14] =	ssyncset.done $0x0  }
0x18: {  	[sflag:s14] =	ssyncadd.s32 $0xFFFFFFC0  }
0x19: {  	v3 =	vld [tilespmem:$0x18000];
	_ =	sdelay $0x4  }
0x1a: {  	v4 =	vshrl.u32 v3, $0x3  }
0x1b: {  	v4 =	vmul.u32 $0x30, v4  }
0x1c: {  	v3 =	vand.u32 $0x7, v3  }
0x1d: {  	v3 =	vor.u32 v3, v4  }
0x1e: {  	v4 =	vperm.xlane v3, v0;
	_ =	sdelay $0x1  }
0x1f: {  	v4 =	vadd.s32 v1, v4;
	_ =	sdelay $0x3  }
0x20: {  	v3 =	vperm.xlane v3, v2  }
0x21: {  	[tilespmem:s2], [sflag:$0x1] =	stream.indirect_vreg.gather [hbm4b:s3+s2], $0x80, v4, vm0, $0xb8;
	[tilespmem:$0x1C100] =	vst v63  }
0x22: {  	s13 =	simm.s32 $0x800;
	v3 =	vadd.s32 v1, v3  }
0x23: {  	[tilespmem:s13], [sflag:$0x1] =	stream.indirect_vreg.gather [hbm4b:s6+s2], $0x80, v4, vm0, $0xb8;
	[tilespmem:$0x1C100] =	vst v63  }
0x24: {  	s15 =	simm.s32 $0x1000  }
0x25: {  	[tilespmem:s15], [sflag:$0x1] =	stream.indirect_vreg.gather [hbm4b:s7+s2], $0x80, v4, vm0, $0xb8;
	[tilespmem:$0x1C100] =	vst v63  }
0x26: {  	s16 =	simm.s32 $0x1800  }
0x27: {  	[tilespmem:s16], [sflag:$0x1] =	stream.indirect_vreg.gather [hbm4b:s3+s2], $0x80, v3, vm0, $0xb8;
	[tilespmem:$0x1C100] =	vst v63  }
0x28: {  	s17 =	simm.s32 $0x2000  }
0x29: {  	[tilespmem:s17], [sflag:$0x1] =	stream.indirect_vreg.gather [hbm4b:s6+s2], $0x80, v3, vm0, $0xb8;
	[tilespmem:$0x1C100] =	vst v63  }
0x2a: {  	s18 =	simm.s32 $0x2800  }
0x2b: {  	[tilespmem:s18], [sflag:$0x1] =	stream.indirect_vreg.gather [hbm4b:s7+s2], $0x80, v3, vm0, $0xb8;
	[tilespmem:$0x1C100] =	vst v63  }
0x2c: {  	v3 =	vld [tilespmem:$0x18010];
	_ =	sdelay $0x4  }
0x2d: {  	v57 =	vshrl.u32 v3, $0x3  }
0x2e: {  	v4 =	vmul.u32 $0x30, v57  }
0x2f: {  	v3 =	vand.u32 $0x7, v3  }
0x30: {  	v3 =	vor.u32 v3, v4  }
0x31: {  	v4 =	vperm.xlane v3, v0;
	_ =	sdelay $0x1  }
0x32: {  	v4 =	vadd.s32 v1, v4;
	_ =	sdelay $0x3  }
0x33: {  	s19 =	simm.s32 $0x3000;
	v3 =	vperm.xlane v3, v2  }
0x34: {  	[tilespmem:s19], [sflag:$0x1] =	stream.indirect_vreg.gather [hbm4b:s3+s2], $0x80, v4, vm0, $0xb8;
	[tilespmem:$0x1C100] =	vst v63  }
0x35: {  	s21 =	simm.s32 $0x3800;
	v3 =	vadd.s32 v1, v3  }
0x36: {  	[tilespmem:s21], [sflag:$0x1] =	stream.indirect_vreg.gather [hbm4b:s6+s2], $0x80, v4, vm0, $0xb8;
	[tilespmem:$0x1C100] =	vst v63  }
0x37: {  	s13 =	simm.s32 $0x4000  }
0x38: {  	[tilespmem:s13], [sflag:$0x1] =	stream.indirect_vreg.gather [hbm4b:s7+s2], $0x80, v4, vm0, $0xb8;
	[tilespmem:$0x1C100] =	vst v63  }
0x39: {  	s15 =	simm.s32 $0x4800  }
0x3a: {  	[tilespmem:s15], [sflag:$0x1] =	stream.indirect_vreg.gather [hbm4b:s3+s2], $0x80, v3, vm0, $0xb8;
	[tilespmem:$0x1C100] =	vst v63  }
0x3b: {  	s16 =	simm.s32 $0x5000  }
0x3c: {  	[tilespmem:s16], [sflag:$0x1] =	stream.indirect_vreg.gather [hbm4b:s6+s2], $0x80, v3, vm0, $0xb8;
	[tilespmem:$0x1C100] =	vst v63  }
0x3d: {  	s17 =	simm.s32 $0x5800  }
0x3e: {  	[tilespmem:s17], [sflag:$0x1] =	stream.indirect_vreg.gather [hbm4b:s7+s2], $0x80, v3, vm0, $0xb8;
	[tilespmem:$0x1C100] =	vst v63  }
0x3f: {  	v3 =	vld [tilespmem:$0x18080];
	_ =	sdelay $0x4  }
0x40: {  	v58 =	vshrl.u32 v3, $0x3  }
0x41: {  	v4 =	vmul.u32 $0x30, v58  }
0x42: {  	v3 =	vand.u32 $0x7, v3  }
0x43: {  	v3 =	vor.u32 v3, v4  }
0x44: {  	v4 =	vperm.xlane v3, v0;
	_ =	sdelay $0x1  }
0x45: {  	v4 =	vadd.s32 v1, v4;
	_ =	sdelay $0x3  }
0x46: {  	s18 =	simm.s32 $0xC000;
	v3 =	vperm.xlane v3, v2  }
0x47: {  	[tilespmem:s18], [sflag:$0x2] =	stream.indirect_vreg.gather [hbm4b:s3+s2], $0x80, v4, vm0, $0xb8;
	[tilespmem:$0x1C100] =	vst v63  }
0x48: {  	s19 =	simm.s32 $0xC800;
	v3 =	vadd.s32 v1, v3  }
0x49: {  	[tilespmem:s19], [sflag:$0x2] =	stream.indirect_vreg.gather [hbm4b:s6+s2], $0x80, v4, vm0, $0xb8;
	[tilespmem:$0x1C100] =	vst v63  }
0x4a: {  	s21 =	simm.s32 $0xD000  }
0x4b: {  	[tilespmem:s21], [sflag:$0x2] =	stream.indirect_vreg.gather [hbm4b:s7+s2], $0x80, v4, vm0, $0xb8;
	[tilespmem:$0x1C100] =	vst v63  }
0x4c: {  	s13 =	simm.s32 $0xD800  }
0x4d: {  	[tilespmem:s13], [sflag:$0x2] =	stream.indirect_vreg.gather [hbm4b:s3+s2], $0x80, v3, vm0, $0xb8;
	[tilespmem:$0x1C100] =	vst v63  }
0x4e: {  	s15 =	simm.s32 $0xE000  }
0x4f: {  	[tilespmem:s15], [sflag:$0x2] =	stream.indirect_vreg.gather [hbm4b:s6+s2], $0x80, v3, vm0, $0xb8;
	[tilespmem:$0x1C100] =	vst v63  }
0x50: {  	s16 =	simm.s32 $0xE800  }
0x51: {  	[tilespmem:s16], [sflag:$0x2] =	stream.indirect_vreg.gather [hbm4b:s7+s2], $0x80, v3, vm0, $0xb8;
	[tilespmem:$0x1C100] =	vst v63  }
0x52: {  	v3 =	vld [tilespmem:$0x18090];
	_ =	sdelay $0x4  }
0x53: {  	v59 =	vshrl.u32 v3, $0x3  }
0x54: {  	v4 =	vmul.u32 $0x30, v59  }
0x55: {  	v3 =	vand.u32 $0x7, v3  }
0x56: {  	v3 =	vor.u32 v3, v4  }
0x57: {  	v4 =	vperm.xlane v3, v0;
	_ =	sdelay $0x1  }
0x58: {  	v4 =	vadd.s32 v1, v4;
	_ =	sdelay $0x3  }
0x59: {  	s17 =	simm.s32 $0xF000;
	v3 =	vperm.xlane v3, v2  }
0x5a: {  	[tilespmem:s17], [sflag:$0x2] =	stream.indirect_vreg.gather [hbm4b:s3+s2], $0x80, v4, vm0, $0xb8;
	[tilespmem:$0x1C100] =	vst v63  }
0x5b: {  	s18 =	simm.s32 $0xF800;
	v3 =	vadd.s32 v1, v3  }
0x5c: {  	[tilespmem:s18], [sflag:$0x2] =	stream.indirect_vreg.gather [hbm4b:s6+s2], $0x80, v4, vm0, $0xb8;
	[tilespmem:$0x1C100] =	vst v63  }
0x5d: {  	s19 =	simm.s32 $0x10000  }
0x5e: {  	[tilespmem:s19], [sflag:$0x2] =	stream.indirect_vreg.gather [hbm4b:s7+s2], $0x80, v4, vm0, $0xb8;
	[tilespmem:$0x1C100] =	vst v63  }
0x5f: {  	s21 =	simm.s32 $0x10800  }
0x60: {  	[tilespmem:s21], [sflag:$0x2] =	stream.indirect_vreg.gather [hbm4b:s3+s2], $0x80, v3, vm0, $0xb8;
	[tilespmem:$0x1C100] =	vst v63  }
0x61: {  	s13 =	simm.s32 $0x11000  }
0x62: {  	[tilespmem:s13], [sflag:$0x2] =	stream.indirect_vreg.gather [hbm4b:s6+s2], $0x80, v3, vm0, $0xb8;
	[tilespmem:$0x1C100] =	vst v63  }
0x63: {  	s15 =	simm.s32 $0x11800  }
0x64: {  	[tilespmem:s15], [sflag:$0x2] =	stream.indirect_vreg.gather [hbm4b:s7+s2], $0x80, v3, vm0, $0xb8;
	[tilespmem:$0x1C100] =	vst v63  }
0x65: {  	v3 =	vld [tilespmem:$0x18020];
	_ =	sdelay $0x4  }
0x66: {  	v60 =	vshrl.u32 v3, $0x3  }
0x67: {  	v4 =	vmul.u32 $0x30, v60  }
0x68: {  	v3 =	vand.u32 $0x7, v3  }
0x69: {  	v3 =	vor.u32 v3, v4  }
0x6a: {  	v4 =	vperm.xlane v3, v0;
	_ =	sdelay $0x1  }
0x6b: {  	v4 =	vadd.s32 v1, v4;
	_ =	sdelay $0x3  }
0x6c: {  	v3 =	vperm.xlane v3, v2  }
0x6d: {  	[tilespmem:s20], [sflag:$0x1] =	stream.indirect_vreg.gather [hbm4b:s3+s2], $0x80, v4, vm0, $0xb8;
	[tilespmem:$0x1C100] =	vst v63  }
0x6e: {  	s16 =	simm.s32 $0x6800;
	v3 =	vadd.s32 v1, v3  }
0x6f: {  	[tilespmem:s16], [sflag:$0x1] =	stream.indirect_vreg.gather [hbm4b:s6+s2], $0x80, v4, vm0, $0xb8;
	[tilespmem:$0x1C100] =	vst v63  }
0x70: {  	s17 =	simm.s32 $0x7000  }
0x71: {  	[tilespmem:s17], [sflag:$0x1] =	stream.indirect_vreg.gather [hbm4b:s7+s2], $0x80, v4, vm0, $0xb8;
	[tilespmem:$0x1C100] =	vst v63  }
0x72: {  	s18 =	simm.s32 $0x7800  }
0x73: {  	[tilespmem:s18], [sflag:$0x1] =	stream.indirect_vreg.gather [hbm4b:s3+s2], $0x80, v3, vm0, $0xb8;
	[tilespmem:$0x1C100] =	vst v63  }
0x74: {  	s19 =	simm.s32 $0x8000  }
0x75: {  	[tilespmem:s19], [sflag:$0x1] =	stream.indirect_vreg.gather [hbm4b:s6+s2], $0x80, v3, vm0, $0xb8;
	[tilespmem:$0x1C100] =	vst v63  }
0x76: {  	s21 =	simm.s32 $0x8800  }
0x77: {  	[tilespmem:s21], [sflag:$0x1] =	stream.indirect_vreg.gather [hbm4b:s7+s2], $0x80, v3, vm0, $0xb8;
	[tilespmem:$0x1C100] =	vst v63  }
0x78: {  	v3 =	vld [tilespmem:$0x18030];
	_ =	sdelay $0x4  }
0x79: {  	v61 =	vshrl.u32 v3, $0x3  }
0x7a: {  	v4 =	vmul.u32 $0x30, v61  }
0x7b: {  	v3 =	vand.u32 $0x7, v3  }
0x7c: {  	v3 =	vor.u32 v3, v4  }
0x7d: {  	v4 =	vperm.xlane v3, v0;
	_ =	sdelay $0x1  }
0x7e: {  	v4 =	vadd.s32 v1, v4;
	_ =	sdelay $0x3  }
0x7f: {  	s13 =	simm.s32 $0x9000;
	v3 =	vperm.xlane v3, v2  }
0x80: {  	[tilespmem:s13], [sflag:$0x1] =	stream.indirect_vreg.gather [hbm4b:s3+s2], $0x80, v4, vm0, $0xb8;
	[tilespmem:$0x1C100] =	vst v63  }
0x81: {  	s15 =	simm.s32 $0x9800;
	v3 =	vadd.s32 v1, v3  }
0x82: {  	[tilespmem:s15], [sflag:$0x1] =	stream.indirect_vreg.gather [hbm4b:s6+s2], $0x80, v4, vm0, $0xb8;
	[tilespmem:$0x1C100] =	vst v63  }
0x83: {  	s16 =	simm.s32 $0xA000  }
0x84: {  	[tilespmem:s16], [sflag:$0x1] =	stream.indirect_vreg.gather [hbm4b:s7+s2], $0x80, v4, vm0, $0xb8;
	[tilespmem:$0x1C100] =	vst v63  }
0x85: {  	s17 =	simm.s32 $0xA800  }
0x86: {  	[tilespmem:s17], [sflag:$0x1] =	stream.indirect_vreg.gather [hbm4b:s3+s2], $0x80, v3, vm0, $0xb8;
	[tilespmem:$0x1C100] =	vst v63  }
0x87: {  	s18 =	simm.s32 $0xB000  }
0x88: {  	[tilespmem:s18], [sflag:$0x1] =	stream.indirect_vreg.gather [hbm4b:s6+s2], $0x80, v3, vm0, $0xb8;
	[tilespmem:$0x1C100] =	vst v63  }
0x89: {  	s19 =	simm.s32 $0xB800  }
0x8a: {  	[tilespmem:s19], [sflag:$0x1] =	stream.indirect_vreg.gather [hbm4b:s7+s2], $0x80, v3, vm0, $0xb8;
	[tilespmem:$0x1C100] =	vst v63  }
0x8b: {  	v3 =	vld [tilespmem:$0x180A0];
	_ =	sdelay $0x4  }
0x8c: {  	v62 =	vshrl.u32 v3, $0x3  }
0x8d: {  	v4 =	vmul.u32 $0x30, v62  }
0x8e: {  	v3 =	vand.u32 $0x7, v3  }
0x8f: {  	v3 =	vor.u32 v3, v4  }
0x90: {  	v4 =	vperm.xlane v3, v0;
	_ =	sdelay $0x1  }
0x91: {  	v4 =	vadd.s32 v1, v4;
	_ =	sdelay $0x3  }
0x92: {  	s21 =	simm.s32 $0x12000;
	v3 =	vperm.xlane v3, v2  }
0x93: {  	[tilespmem:s21], [sflag:$0x2] =	stream.indirect_vreg.gather [hbm4b:s3+s2], $0x80, v4, vm0, $0xb8;
	[tilespmem:$0x1C100] =	vst v63  }
0x94: {  	s13 =	simm.s32 $0x12800;
	v3 =	vadd.s32 v1, v3  }
0x95: {  	[tilespmem:s13], [sflag:$0x2] =	stream.indirect_vreg.gather [hbm4b:s6+s2], $0x80, v4, vm0, $0xb8;
	[tilespmem:$0x1C100] =	vst v63  }
0x96: {  	s15 =	simm.s32 $0x13000  }
0x97: {  	[tilespmem:s15], [sflag:$0x2] =	stream.indirect_vreg.gather [hbm4b:s7+s2], $0x80, v4, vm0, $0xb8;
	[tilespmem:$0x1C100] =	vst v63  }
0x98: {  	s16 =	simm.s32 $0x13800  }
0x99: {  	[tilespmem:s16], [sflag:$0x2] =	stream.indirect_vreg.gather [hbm4b:s3+s2], $0x80, v3, vm0, $0xb8;
	[tilespmem:$0x1C100] =	vst v63  }
0x9a: {  	s17 =	simm.s32 $0x14000  }
0x9b: {  	[tilespmem:s17], [sflag:$0x2] =	stream.indirect_vreg.gather [hbm4b:s6+s2], $0x80, v3, vm0, $0xb8;
	[tilespmem:$0x1C100] =	vst v63  }
0x9c: {  	s18 =	simm.s32 $0x14800  }
0x9d: {  	[tilespmem:s18], [sflag:$0x2] =	stream.indirect_vreg.gather [hbm4b:s7+s2], $0x80, v3, vm0, $0xb8;
	[tilespmem:$0x1C100] =	vst v63  }
0x9e: {  	v3 =	vld [tilespmem:$0x180B0];
	_ =	sdelay $0x4  }
0x9f: {  	v63 =	vshrl.u32 v3, $0x3  }
0xa0: {  	v4 =	vmul.u32 $0x30, v63  }
0xa1: {  	v3 =	vand.u32 $0x7, v3  }
0xa2: {  	v3 =	vor.u32 v3, v4  }
0xa3: {  	v4 =	vperm.xlane v3, v0;
	_ =	sdelay $0x1  }
0xa4: {  	v4 =	vadd.s32 v1, v4;
	_ =	sdelay $0x3  }
0xa5: {  	s19 =	simm.s32 $0x15000;
	v3 =	vperm.xlane v3, v2  }
0xa6: {  	[tilespmem:s19], [sflag:$0x2] =	stream.indirect_vreg.gather [hbm4b:s3+s2], $0x80, v4, vm0, $0xb8;
	[tilespmem:$0x1C100] =	vst v63  }
0xa7: {  	s21 =	simm.s32 $0x15800;
	v3 =	vadd.s32 v1, v3  }
0xa8: {  	[tilespmem:s21], [sflag:$0x2] =	stream.indirect_vreg.gather [hbm4b:s6+s2], $0x80, v4, vm0, $0xb8;
	[tilespmem:$0x1C100] =	vst v63  }
0xa9: {  	_ = 	snop  }
0xaa: {  	[tilespmem:s22], [sflag:$0x2] =	stream.indirect_vreg.gather [hbm4b:s7+s2], $0x80, v4, vm0, $0xb8;
	[tilespmem:$0x1C100] =	vst v63  }
0xab: {  	_ = 	snop  }
0xac: {  	[tilespmem:s23], [sflag:$0x2] =	stream.indirect_vreg.gather [hbm4b:s3+s2], $0x80, v3, vm0, $0xb8;
	[tilespmem:$0x1C100] =	vst v63  }
0xad: {  	_ = 	snop  }
0xae: {  	[tilespmem:s24], [sflag:$0x2] =	stream.indirect_vreg.gather [hbm4b:s6+s2], $0x80, v3, vm0, $0xb8;
	[tilespmem:$0x1C100] =	vst v63  }
0xaf: {  	_ = 	snop  }
0xb0: {  	[tilespmem:s25], [sflag:$0x2] =	stream.indirect_vreg.gather [hbm4b:s7+s2], $0x80, v3, vm0, $0xb8;
	[tilespmem:$0x1C100] =	vst v63  }
0xb1: {  	_ = 	snop  }
0xb2: {  	[tilespmem:s26], [sflag:$0x4] =	stream.linear.gather [hbm4b:s8+s2], $0x2000, $0x38;
	[tilespmem:$0x1C100] =	vst v63  }
0xb3: {  	_ =	swait.ge [sflag:s14], $0x2000  }
0xb4: {  	[sflag:s14] =	ssyncset.done $0x0  }
0xb5: {  	[sflag:s14] =	ssyncadd.s32 $0xFFFFE000  }
0xb6: {  	[tilespmem:s28], [sflag:$0x4] =	stream.linear.gather [hbm4b:s9+s2], $0x2000, $0x38;
	[tilespmem:$0x1C100] =	vst v63  }
0xb7: {  	_ =	swait.ge [sflag:s14], $0x2000  }
0xb8: {  	[sflag:s14] =	ssyncset.done $0x0  }
0xb9: {  	[sflag:s14] =	ssyncadd.s32 $0xFFFFE000  }
0xba: {  	_ =	swait.ge [sflag:s29], $0x6000  }
0xbb: {  	[sflag:s29] =	ssyncset.done $0x0  }
0xbc: {  	[sflag:s29] =	ssyncadd.s32 $0xFFFFA000  }
0xbd: {  	_ =	swait.ge [sflag:s30], $0x6000  }
0xbe: {  	[sflag:s30] =	ssyncset.done $0x0  }
0xbf: {  	s1 =	simm.s32 $0x0;
	[sflag:s30] =	ssyncadd.s32 $0xFFFFA000  }
.LBB2_2:
0xc0: {  	s13 =	sshrl.u32 s1, $0x3  }
0xc1: {  	s15 =	sshll.u32 s1, $0x7;
	s13 =	smul.u32 $0x1800, s13  }
0xc2: {  	s17 =	simm.s32 $0x0;
	s16 =	sand.u32 $0x380, s15  }
0xc3: {  	s19 =	sand.u32 $0x1C00, s17;
	s13 =	sor.u32 s16, s13  }
0xc4: {  	v3 =	vld [tilespmem:s15+$0x18100];
	s17 =	sand.u32 $0x70, s17;
	s16 =	sadd.s32 s13, s19  }
0xc5: {  	v4 =	vld [tilespmem:s15+$0x1A100];
	s15 =	sor.u32 s17, s16  }
0xc6: {  	v5 =	vld [tilespmem:s15+$0xC000]  }
0xc7: {  	v6 =	vld [tilespmem:s15+$0x0];
	_ =	sdelay $0x4  }
0xc8: {  	s16 =	simm.s32 $0x80;
	v6 =	vmul.f32 v6, v3;
	v5 =	vmul.f32 v5, v4  }
0xc9: {  	s21 =	simm.s32 $0x10;
	s19 =	sand.u32 $0x1C00, s16  }
0xca: {  	s18 =	sand.u32 $0x70, s21;
	s17 =	simm.s32 $0x20;
	s19 =	sadd.s32 s13, s19;
	v5 =	vadd.f32 v5, v6  }
.LBB2_3:
0xcb: {  	p0 =	sne.s32 s17, $0x2F0;
	s18 =	sor.u32 s18, s19  }
0xcc: {  	v6 =	vld [tilespmem:s18+$0xC000];
	[tilespmem:s15+$0x0] =	vst v5;
	s15 =	smov.u32 s18  }
0xcd: {  	v5 =	vld [tilespmem:s15+$0x0];
	_ =	sdelay $0x2  }
.Ltmp0:
0xce: {  	(pc) =	sbr.rel @p0 .LBB2_3-.Ltmp0, $4  }
0xcf: {  	_ = 	snop  }
0xd0: {  	s16 =	sadd.s32 $0x80, s16;
	v6 =	vmul.f32 v6, v4;
	v5 =	vmul.f32 v5, v3  }
0xd1: {  	s19 =	sand.u32 $0x1C00, s16  }
0xd2: {  	s18 =	sand.u32 $0x70, s17;
	s17 =	sadd.s32 $0x10, s17;
	s19 =	sadd.s32 s13, s19;
	v5 =	vadd.f32 v6, v5  }
0xd3: {  	s13 =	sor.u32 s18, s19  }
0xd4: {  	v6 =	vld [tilespmem:s13+$0xC000];
	[tilespmem:s15+$0x0] =	vst v5  }
0xd5: {  	v5 =	vld [tilespmem:s13+$0x0];
	_ =	sdelay $0x2  }
0xd6: {  	s1 =	sadd.s32 $0x1, s1  }
0xd7: {  	p0 =	sne.s32 s1, $0x20  }
.Ltmp1:
0xd8: {  	v4 =	vmul.f32 v6, v4;
	v3 =	vmul.f32 v5, v3;
	(pc) =	sbr.rel @p0 .LBB2_2-.Ltmp1, $3  }
0xd9: {  	_ = 	snop  }
0xda: {  	v3 =	vadd.f32 v4, v3;
	_ =	sdelay $0x1  }
0xdb: {  	[tilespmem:s13+$0x0] =	vst v3  }
0xdc: {  	s1 =	simm.s32 $0x0  }
0xdd: {  	[hbm4b:s10+s1] =	stream.linear.scatter [tilespmem:s1], [sflag:$0x3], $0x6000, $0x38;
	[tilespmem:$0x1C100] =	vst v63  }
0xde: {  	_ =	swait.ge [sflag:s29], $0x6000  }
0xdf: {  	[sflag:s29] =	ssyncset.done $0x0  }
0xe0: {  	[sflag:s29] =	ssyncadd.s32 $0xFFFFA000  }
0xe1: {  	_ =	swait.ge [sflag:s30], $0x6000  }
0xe2: {  	[sflag:s30] =	ssyncset.done $0x0  }
0xe3: {  	s13 =	simm.s32 $0x0;
	[sflag:s30] =	ssyncadd.s32 $0xFFFFA000  }
.LBB2_6:
0xe4: {  	s15 =	sshrl.u32 s13, $0x3  }
0xe5: {  	s16 =	sshll.u32 s13, $0x7;
	s15 =	smul.u32 $0x1800, s15  }
0xe6: {  	s17 =	sand.u32 $0x380, s16  }
0xe7: {  	s15 =	sor.u32 s17, s15  }
0xe8: {  	s21 =	sand.u32 $0x1C00, s1;
	s15 =	sadd.s32 $0x6000, s15  }
0xe9: {  	s18 =	sand.u32 $0x70, s1;
	v3 =	vld [tilespmem:s16+$0x19100];
	s17 =	sadd.s32 s21, s15  }
0xea: {  	v4 =	vld [tilespmem:s16+$0x1B100];
	s16 =	sor.u32 s18, s17  }
0xeb: {  	v5 =	vld [tilespmem:s16+$0xC000]  }
0xec: {  	v6 =	vld [tilespmem:s16+$0x0];
	_ =	sdelay $0x4  }
0xed: {  	s17 =	simm.s32 $0x80;
	v6 =	vmul.f32 v6, v3;
	v5 =	vmul.f32 v5, v4  }
0xee: {  	s19 =	simm.s32 $0x10;
	s21 =	sand.u32 $0x1C00, s17  }
0xef: {  	s19 =	sand.u32 $0x70, s19;
	s18 =	simm.s32 $0x20;
	s21 =	sadd.s32 s21, s15;
	v5 =	vadd.f32 v5, v6  }
.LBB2_7:
0xf0: {  	p0 =	sne.s32 s18, $0x2F0;
	s19 =	sor.u32 s19, s21  }
0xf1: {  	v6 =	vld [tilespmem:s19+$0xC000];
	[tilespmem:s16+$0x0] =	vst v5;
	s16 =	smov.u32 s19  }
0xf2: {  	v5 =	vld [tilespmem:s16+$0x0];
	_ =	sdelay $0x2  }
.Ltmp2:
0xf3: {  	(pc) =	sbr.rel @p0 .LBB2_7-.Ltmp2, $4  }
0xf4: {  	_ = 	snop  }
0xf5: {  	s17 =	sadd.s32 $0x80, s17;
	v6 =	vmul.f32 v6, v4;
	v5 =	vmul.f32 v5, v3  }
0xf6: {  	s21 =	sand.u32 $0x1C00, s17  }
0xf7: {  	s19 =	sand.u32 $0x70, s18;
	s18 =	sadd.s32 $0x10, s18;
	s21 =	sadd.s32 s21, s15;
	v5 =	vadd.f32 v6, v5  }
0xf8: {  	s15 =	sor.u32 s19, s21  }
0xf9: {  	v6 =	vld [tilespmem:s15+$0xC000];
	[tilespmem:s16+$0x0] =	vst v5  }
0xfa: {  	v5 =	vld [tilespmem:s15+$0x0];
	_ =	sdelay $0x2  }
0xfb: {  	s13 =	sadd.s32 $0x1, s13  }
0xfc: {  	p0 =	sne.s32 s13, $0x20  }
.Ltmp3:
0xfd: {  	v4 =	vmul.f32 v6, v4;
	v3 =	vmul.f32 v5, v3;
	(pc) =	sbr.rel @p0 .LBB2_6-.Ltmp3, $3  }
0xfe: {  	_ = 	snop  }
0xff: {  	v3 =	vadd.f32 v4, v3;
	_ =	sdelay $0x1  }
0x100: {  	[tilespmem:s15+$0x0] =	vst v3  }
0x101: {  	[hbm4b:s11+s2] =	stream.linear.scatter [tilespmem:s20], [sflag:$0x3], $0x6000, $0x38;
	[tilespmem:$0x1C100] =	vst v63  }
0x102: {  	s0 =	sadd.s32 $0x1, s0  }
0x103: {  	_ =	swait.ge [sflag:s31], $0x6000;
	p0 =	sne.s32 s0, s12  }
.Ltmp4:
0x104: {  	[sflag:s31] =	ssyncset.done $0x0;
	(pc) =	sbr.rel @p0 .LBB2_1-.Ltmp4, $4  }
0x105: {  	[sflag:s31] =	ssyncadd.s32 $0xFFFFA000  }
0x106: {  	_ =	swait.ge [sflag:s31], $0x6000  }
0x107: {  	[sflag:s31] =	ssyncset.done $0x0  }
0x108: {  	[sflag:s31] =	ssyncadd.s32 $0xFFFFA000  }
0x109: {  	_ =	sfence.sel $0x180000  }
0x10a: {  	[bflag:$0x0] =	sbarrier.arrive $0xFFFF  }
0x10b: {  	_ =	strace $0x9000004A  }
0x10c: {  	s0 =	stileid.u32;
	[bflag:$0x2] =	sbarrier.arrive $0xFFFF  }
0x10d: {  	p0 =	sne.s32 s0, $0x0;
	s0 =	rddreg [dreg:$0x1]  }
0x10e: {  	s0 =	sadd.s32 @!p0 $0x100000, s0  }
0x10f: {  	[sflag:s0] =	ssyncadd.tile.s32 @!p0 $0x1;
	_ =	shalt  }
.Lfunc_end2:
_tile_overlayer_lowered:
.L_overlay_start_2:
0x110: {  	(tag) =	ssettag $0x2  }
0x111: {  	s0 =	rddreg [dreg:$0x0];
	s2 =	stileid.u32  }
0x112: {  	s1 =	rddreg [dreg:$0x1];
	p0 =	sne.s32 s2, $0x0  }
0x113: {  	s3 =	rddreg [dreg:$0x2];
	[bflag:$0x3] =	sbarrier.arrive $0xFFFF;
	s2 =	simm.s32 @!p0 $0x1C04  }
0x114: {  	[timem:s3], [sflag:s2] =	dma.local @!p0 [hbm:s0], s1  }
0x115: {  	s0 =	simm.s32 @!p0 $0x4  }
0x116: {  	_ =	swait.ge @!p0 [sflag:s0], s1  }
0x117: {  	s1 =	ssub.s32 @!p0 $0x0, s1;
	[sflag:s0] =	ssyncset.done @!p0 $0x0  }
0x118: {  	[sflag:s0] =	ssyncadd.s32 @!p0 s1  }
0x119: {  	[bflag:$0x3] =	sbarrier.arrive $0xFFFF  }
0x11a: {  	_ =	shalt  }

// kernel: kernel.8.cloned.1.call-start
scs
__scs_entry_jumppad:
0x0: {  	(pc) =	sbr.rel $0x88, $3  }
0x1: {  	(tag) =	ssettag $0x0;
	lr =	simm.s32 $0x1  }
0x2: {  	[smem:$0x3F99] =	sst lr;
	_ =	strace $0xD0000000  }
0x3: {  	_ = 	snop  }
0x4: {  	_ = 	snop  }
0x5: {  	_ = 	snop  }
0x6: {  	_ = 	snop  }
0x7: {  	_ = 	snop  }
__scs_overlays_trampoline_lowered:
0x8: {  	[smem:$0x3FA8] =	sst s0  }
0x9: {  	[smem:$0x3FA9] =	sst s1  }
0xa: {  	[smem:$0x3FAA] =	sst s2  }
0xb: {  	[smem:$0x3FAB] =	sst s3  }
0xc: {  	[smem:$0x3FAC] =	sst s4  }
0xd: {  	[smem:$0x3FAD] =	sst s5  }
0xe: {  	[smem:$0x3FAE] =	sst s6  }
0xf: {  	[smem:$0x3FAF] =	sst s7  }
0x10: {  	[smem:$0x3FB0] =	sst s8  }
0x11: {  	[smem:$0x3FB1] =	sst s9;
	s0 =	simm.s32 @!p0 $0x0  }
0x12: {  	s1 =	sld [smem:$0x3F97];
	s0 =	simm.s32 @p0 $0x1  }
0x13: {  	[smem:$0x3FB2] =	sst s0;
	s0 =	simm.s32 @!p1 $0x0  }
0x14: {  	s2 =	sld [smem:$0x3F96];
	s0 =	simm.s32 @p1 $0x1  }
0x15: {  	[smem:$0x3FB3] =	sst s0;
	s0 =	simm.s32 @!p2 $0x0  }
0x16: {  	s3 =	sld [smem:$0x3FDB];
	s0 =	simm.s32 @p2 $0x1  }
0x17: {  	s4 =	simm.s32 $0x1BF5;
	[smem:$0x3FB5] =	sst s0  }
0x18: {  	s0 =	sld [smem:$0x3F98];
	_ =	swait.ge [sflag:s4], $0x0  }
0x19: {  	s7 =	sld [smem:$0x3F99]  }
0x1a: {  	s8 =	sadd.s32 $0xFFFFE003, lr  }
0x1b: {  	s9 =	sadd.s32 $0xFFFFFEF7, lr;
	s5 =	simm.s32 $0xFFFFFFFF;
	p2 =	slt.u32 s8, $0xFFFFF086  }
0x1c: {  	p1 =	slt.u32 s9, $0xF7A;
	s5 =	simm.s32 @!p2 $0x0  }
0x1d: {  	s5 =	simm.s32 @p1 $0x1;
	p0 =	seq.s32 s7, s2  }
0x1e: {  	s7 =	smul.u32 @!p0 $0xF7A, s2;
	p2 =	seq.s32 @!p0 s5, $0x0  }
0x1f: {  	s9 =	smul.u32 $0xF7A, s1;
	s8 =	simm.s32 @!p0 $0x1BF5;
	p2 =	por !p2, p0  }
0x20: {  	[sflag:s8] =	ssyncset.s32 @!p0 $0xFFFFF086;
	s6 =	sadd.s32 @!p0 s3, s7;
	s7 =	simm.s32 @!p0 $0x108  }
0x21: {  	s3 =	sadd.s32 s3, s9;
	s6 =	sadd.s32 @!p0 $0x88, s6;
	s7 =	simm.s32 @p2 $0x1082  }
0x22: {  	[simem:s7], [sflag:s8] =	dma.local @!p0 [hbm:s6], $0xF7A  }
0x23: {  	s9 =	sor.u32 $0xD0000000, s2;
	s6 =	simm.s32 $0x108;
	_ =	swait.ge @!p0 [sflag:s8], $0x0  }
0x24: {  	s3 =	sadd.s32 $0x88, s3;
	s6 =	simm.s32 @!p1 $0x1082;
	[sflag:s4] =	ssyncset.s32 $0xFFFFF086  }
0x25: {  	[simem:s6], [sflag:s4] =	dma.local [hbm:s3], $0xF7A  }
0x26: {  	[smem:$0x3F99] =	sst s1;
	(tag) =	ssettag s2;
	_ =	strace s9  }
0x27: {  	s1 =	sld [smem:$0x3FA9]  }
0x28: {  	s2 =	sld [smem:$0x3FAA]  }
0x29: {  	s4 =	sld [smem:$0x3FAC]  }
0x2a: {  	p0 =	seq.s32 s5, $0x0;
	s5 =	sld [smem:$0x3FAD]  }
0x2b: {  	s6 =	sld [smem:$0x3FAE]  }
0x2c: {  	s7 =	sld [smem:$0x3FAF]  }
0x2d: {  	s3 =	simm.s32 $0x108;
	s8 =	sld [smem:$0x3FB0]  }
0x2e: {  	s3 =	simm.s32 @!p0 $0x1082;
	s9 =	sld [smem:$0x3FB1]  }
0x2f: {  	lr =	sadd.s32 s0, s3;
	s0 =	sld [smem:$0x3FA8]  }
0x30: {  	s3 =	sld [smem:$0x3FAB]  }
0x31: {  	[smem:$0x3FB4] =	sst s10  }
0x32: {  	s10 =	sld [smem:$0x3FB2];
	_ =	sdelay $0x3  }
0x33: {  	p0 =	seq.s32 s10, $0x1;
	s10 =	sld [smem:$0x3FB4];
	_ =	sdelay $0x3  }
0x34: {  	[smem:$0x3FB4] =	sst s10  }
0x35: {  	s10 =	sld [smem:$0x3FB3];
	_ =	sdelay $0x3  }
0x36: {  	p1 =	seq.s32 s10, $0x1;
	s10 =	sld [smem:$0x3FB4];
	_ =	sdelay $0x3  }
0x37: {  	[smem:$0x3FB4] =	sst s10  }
0x38: {  	s10 =	sld [smem:$0x3FB5]  }
0x39: {  	_ = 	snop;
	(pc) =	sbr.ind lr, $3  }
0x3a: {  	_ = 	snop  }
0x3b: {  	_ = 	snop  }
0x3c: {  	p2 =	seq.s32 s10, $0x1;
	s10 =	sld [smem:$0x3FB4]  }
0x3d: {  	_ =	shalt  }
0x3e: {  	_ =	shalt  }
0x3f: {  	_ =	shalt  }
0x40: {  	_ =	shalt  }
0x41: {  	_ =	shalt  }
0x42: {  	_ =	shalt  }
0x43: {  	_ =	shalt  }
0x44: {  	_ =	shalt  }
0x45: {  	_ =	shalt  }
0x46: {  	_ =	shalt  }
0x47: {  	_ =	shalt  }
0x48: {  	_ =	shalt  }
0x49: {  	_ =	shalt  }
0x4a: {  	_ =	shalt  }
0x4b: {  	_ =	shalt  }
0x4c: {  	_ =	shalt  }
0x4d: {  	_ =	shalt  }
0x4e: {  	_ =	shalt  }
0x4f: {  	_ =	shalt  }
0x50: {  	_ =	shalt  }
0x51: {  	_ =	shalt  }
0x52: {  	_ =	shalt  }
0x53: {  	_ =	shalt  }
0x54: {  	_ =	shalt  }
0x55: {  	_ =	shalt  }
0x56: {  	_ =	shalt  }
0x57: {  	_ =	shalt  }
0x58: {  	_ =	shalt  }
0x59: {  	_ =	shalt  }
0x5a: {  	_ =	shalt  }
0x5b: {  	_ =	shalt  }
0x5c: {  	_ =	shalt  }
0x5d: {  	_ =	shalt  }
0x5e: {  	_ =	shalt  }
0x5f: {  	_ =	shalt  }
0x60: {  	_ =	shalt  }
0x61: {  	_ =	shalt  }
0x62: {  	_ =	shalt  }
0x63: {  	_ =	shalt  }
0x64: {  	_ =	shalt  }
0x65: {  	_ =	shalt  }
0x66: {  	_ =	shalt  }
0x67: {  	_ =	shalt  }
0x68: {  	_ =	shalt  }
0x69: {  	_ =	shalt  }
0x6a: {  	_ =	shalt  }
0x6b: {  	_ =	shalt  }
0x6c: {  	_ =	shalt  }
0x6d: {  	_ =	shalt  }
0x6e: {  	_ =	shalt  }
0x6f: {  	_ =	shalt  }
0x70: {  	_ =	shalt  }
0x71: {  	_ =	shalt  }
0x72: {  	_ =	shalt  }
0x73: {  	_ =	shalt  }
0x74: {  	_ =	shalt  }
0x75: {  	_ =	shalt  }
0x76: {  	_ =	shalt  }
0x77: {  	_ =	shalt  }
0x78: {  	_ =	shalt  }
0x79: {  	_ =	shalt  }
0x7a: {  	_ =	shalt  }
0x7b: {  	_ =	shalt  }
0x7c: {  	_ =	shalt  }
0x7d: {  	_ =	shalt  }
0x7e: {  	_ =	shalt  }
0x7f: {  	_ =	shalt  }
0x80: {  	_ =	shalt  }
0x81: {  	_ =	shalt  }
0x82: {  	_ =	shalt  }
0x83: {  	_ =	shalt  }
0x84: {  	_ =	shalt  }
0x85: {  	_ =	shalt  }
0x86: {  	_ =	shalt  }
0x87: {  	_ =	shalt  }
.Lfunc_end0:
.L_simem_size_0:
called_computation_lowered:
.L_overlay_start_0:
0x88: {  	s2 =	sld [smem:$0x3FD9]  }
0x89: {  	s3 =	sld [smem:$0x3FFE];
	_ =	sdelay $0x1  }
0x8a: {  	s1 =	srdreg.scid  }
0x8b: {  	s0 =	sand.u32 $0x1, s1  }
0x8c: {  	s17 =	sshll.u32 s0, $0xA;
	s2 =	sadd.s32 s3, s2  }
0x8d: {  	s2 =	sadd.s32 s2, s17  }
0x8e: {  	[smem:$0x3FC0] =	sst s2  }
0x8f: {  	_ = 	snop  }
0x90: {  	s2 =	sld [smem:$0x3FC9];
	(tm) =	ssettm $0x1  }
0x91: {  	s18 =	sld [smem:$0x3FFB];
	_ =	sdelay $0x3  }
0x92: {  	_ =	strace s18  }
0x93: {  	s3 =	sld [smem:$0x3FFC];
	_ =	sdelay $0x3  }
0x94: {  	_ =	strace s3  }
0x95: {  	s3 =	sld [smem:$0x3FFD];
	_ =	sdelay $0x3  }
0x96: {  	_ =	strace s3  }
0x97: {  	_ =	strace $0x8FFFFFFF  }
0x98: {  	s19 =	sld [smem:$0x3FDB];
	_ =	sdelay $0x1  }
0x99: {  	s4 =	simm.s32 $_scs_section_size  }
0x9a: {  	s5 =	simm.s32 $_size__tile_overlayer_lowered;
	s6 =	simm.s32 $_tile_overlayer_lowered  }
0x9b: {  	s22 =	simm.s32 $0x1BFF;
	s21 =	sshll.u32 s6, $0x1;
	s3 =	sadd.s32 s4, s19  }
0x9c: {  	s7 =	simm.s32 $0x0;
	s20 =	sshll.u32 s5, $0x1;
	s5 =	sadd.s32 s21, s3  }
0x9d: {  	[timem:s7], [sflag:s22] =	dma.local [hbm:s5], s20  }
0x9e: {  	_ =	swait.ge [sflag:s22], s20  }
0x9f: {  	s4 =	ssub.s32 $0x0, s20;
	[sflag:s22] =	ssyncset.done $0x0  }
0xa0: {  	[sflag:s22] =	ssyncadd.s32 s4;
	_ =	sdelay $0x1  }
0xa1: {  	s23 =	simm.s32 $0x1B8B  }
0xa2: {  	_ =	swait.ge [sflag:s23], $0x1  }
0xa3: {  	[sflag:s23] =	ssyncset.done $0x0  }
0xa4: {  	s25 =	simm.s32 $0x1B8E;
	s24 =	sld [smem:$0x3FFE];
	[sflag:s23] =	ssyncadd.s32 $0xFFFFFFFF  }
0xa5: {  	s26 =	simm.s32 $execute0_lowered;
	[smem:$0x3FD2] =	sst s25  }
0xa6: {  	s5 =	sshll.u32 s26, $0x1;
	_ =	strace $0x80000046;
	[dreg:$0x1] =	wrdreg $0xFFFFFFFF  }
0xa7: {  	s28 =	simm.s32 $_size_execute0_lowered;
	s3 =	sadd.s32 s3, s5;
	[dreg:$0x0] =	wrdreg $0x0  }
0xa8: {  	s5 =	sshll.u32 s28, $0x1;
	[dreg:$0x2] =	wrdreg s3  }
0xa9: {  	[dreg:$0x3] =	wrdreg s5  }
0xaa: {  	[dreg:$0x4] =	wrdreg $0xC0  }
0xab: {  	_ =	task [dreg:s7], $0x5FFFF  }
0xac: {  	[dreg:$0x1] =	wrdreg $0xFFFFFFFF  }
0xad: {  	[dreg:$0x0] =	wrdreg $0x60  }
0xae: {  	[dreg:$0x2] =	wrdreg s2  }
0xaf: {  	[dreg:$0x3] =	wrdreg s24  }
0xb0: {  	[dreg:$0x4] =	wrdreg $0x9  }
0xb1: {  	_ =	task.clear_ibuf [dreg:s7], $0x5FFFF;
	_ =	strace $0x90000046  }
0xb2: {  	s29 =	simm.s32 $0x9;
	_ =	strace $0x80000048  }
0xb3: {  	_ =	swait.ge [sflag:s29], $0x1  }
0xb4: {  	[sflag:s29] =	ssyncadd.s32 $0xFFFFFFFF  }
0xb5: {  	_ =	strace $0x90000048  }
0xb6: {  	_ =	sfence  }
0xb7: {  	s30 =	sld [smem:$0x0];
	_ =	sdelay $0x2  }
0xb8: {  	s31 =	sshll.u32 s1, $0xD;
	s1 =	sshrl.u32 s1, $0x2  }
0xb9: {  	s3 =	sand.u32 $0x4000, s31;
	s1 =	sadd.s32 s1, s30  }
0xba: {  	s0 =	sor.u32 s3, s0;
	s1 =	sshll.u32 s1, $0x11  }
0xbb: {  	s0 =	sor.u32 s1, s0  }
0xbc: {  	s0 =	sadd.s32 $0x8F2B, s0  }
0xbd: {  	[sflag:s0] =	ssyncadd.remote.s32 $0x1  }
0xbe: {  	_ =	sfence.sel $0xFFFF  }
0xbf: {  	[dreg:$0x0] =	wrdreg $0xFFFFFFFF;
	(pc) =	sbr.abs _section_cstart, $3  }
0xc0: {  	[dreg:$0x1] =	wrdreg $0xFFFFFFFF  }
0xc1: {  	_ =	task.clear_ibuf [dreg:s7], $0x2FFFF;
	_ =	strace $0x9FFFFFFF  }
0xc2: {  	(tm) =	ssettm $0x7FFFFFFF  }
0xc3: {  	_ =	shalt  }
tec
execute0_lowered:
.L_overlay_start_1:
0x0: {  	(tag) =	ssettag $0x1  }
0x1: {  	s0 =	srdreg.scid  }
0x2: {  	s1 =	rddreg [dreg:$0x0];
	s2 =	stileid.u32  }
0x3: {  	s5 =	rddreg [dreg:$0x1];
	s25 =	simm.s32 $0xC000;
	s26 =	simm.s32 $0xC080  }
0x4: {  	s7 =	simm.s32 $0x3;
	s10 =	simm.s32 $0x1800;
	s11 =	simm.s32 $0x2000  }
0x5: {  	s12 =	simm.s32 $0x2800;
	s13 =	simm.s32 $0x3000;
	s14 =	simm.s32 $0x3800  }
0x6: {  	s15 =	simm.s32 $0x4000;
	s16 =	simm.s32 $0x4800;
	s17 =	simm.s32 $0x5000  }
0x7: {  	s18 =	simm.s32 $0x5800;
	s19 =	simm.s32 $0x6000;
	s20 =	simm.s32 $0x6800  }
0x8: {  	s21 =	simm.s32 $0x7000;
	s22 =	simm.s32 $0x7800;
	s23 =	simm.s32 $0x8000  }
0x9: {  	s28 =	simm.s32 $0xA000;
	s29 =	simm.s32 $0xA800;
	s30 =	simm.s32 $0xB000  }
0xa: {  	s0 =	sand.u32 $0x1, s0;
	s3 =	sshll.u32 s2, $0x4;
	s2 =	simm.s32 $0x0  }
0xb: {  	s31 =	simm.s32 $0xB800;
	s4 =	sshll.u32 s0, $0x3;
	[smem:$0x7FF] =	sst s2  }
0xc: {  	s0 =	ssub.s32 $0x2, s0;
	_ =	strace $0x80000047;
	[dreg:$0x6] =	wrdreg s25  }
0xd: {  	s3 =	sor.u32 s4, s3;
	s24 =	sshrl.u32 s0, $0x1;
	[dreg:$0x7] =	wrdreg s26  }
0xe: {  	s25 =	simm.s32 $0x9000;
	s26 =	simm.s32 $0x9800;
	s4 =	sadd.s32 s3, s5  }
0xf: {  	s3 =	smul.u32 $0x300, s3;
	s0 =	ssub.s32 s0, s24;
	s6 =	sadd.s32 $0x18A00, s4  }
0x10: {  	s24 =	simm.s32 $0x8800;
	s4 =	sadd.s32 $0x18C00, s4;
	[dreg:$0x3] =	wrdreg s6  }
0x11: {  	v2 =	vlaneseq.u32;
	[dreg:$0x4] =	wrdreg s4;
	s1 =	sadd.s32 s1, s3;
	s3 =	sadd.s32 $0x18E00, s5  }
0x12: {  	vm0 =	vmmov $0xffff;
	v1 =	vshrl.u32 v2, $0x3;
	s4 =	sadd.s32 $0x18F00, s5;
	s5 =	sadd.s32 $0x19000, s5;
	s6 =	smax.u32 s0, $0x1  }
0x13: {  	v0 =	vand.u32 $0x7, v2;
	v2 =	vor.u32 $0x8, v2;
	v1 =	vmul.u32 $0x8, v1;
	s0 =	simm.s32 $0x2;
	[dreg:$0x5] =	wrdreg s1;
	s1 =	simm.s32 $0x1  }
.LBB2_1:
0x14: {  	s8 =	rddreg [dreg:$0x3]  }
0x15: {  	s9 =	rddreg [dreg:$0x6]  }
0x16: {  	[tilespmem:s9], [sflag:$0x3] =	stream.linear.gather [hbm4b:s8+s2], $0x40, $0x38;
	[tilespmem:$0xC100] =	vst v63  }
0x17: {  	_ =	swait.ge [sflag:s7], $0x40  }
0x18: {  	s8 =	rddreg [dreg:$0x4];
	[sflag:s7] =	ssyncset.done $0x0  }
0x19: {  	s9 =	rddreg [dreg:$0x7];
	[sflag:s7] =	ssyncadd.s32 $0xFFFFFFC0  }
0x1a: {  	[tilespmem:s9], [sflag:$0x3] =	stream.linear.gather [hbm4b:s8+s2], $0x40, $0x38;
	[tilespmem:$0xC100] =	vst v63  }
0x1b: {  	_ =	swait.ge [sflag:s7], $0x40  }
0x1c: {  	[sflag:s7] =	ssyncset.done $0x0  }
0x1d: {  	s9 =	rddreg [dreg:$0x5];
	[sflag:s7] =	ssyncadd.s32 $0xFFFFFFC0  }
0x1e: {  	[tilespmem:s2], [sflag:$0x3] =	stream.linear.gather [hbm4b:s9+s2], $0xC000, $0x38;
	[tilespmem:$0xC100] =	vst v63  }
0x1f: {  	_ =	swait.ge [sflag:s7], $0xC000  }
0x20: {  	[sflag:s7] =	ssyncset.done $0x0  }
0x21: {  	[sflag:s7] =	ssyncadd.s32 $0xFFFF4000  }
0x22: {  	v3 =	vld [tilespmem:$0xC000];
	_ =	sdelay $0x4  }
0x23: {  	v4 =	vshrl.u32 v3, $0x3  }
0x24: {  	v4 =	vmul.u32 $0x30, v4  }
0x25: {  	v3 =	vand.u32 $0x7, v3  }
0x26: {  	v3 =	vor.u32 v3, v4  }
0x27: {  	v4 =	vperm.xlane v3, v0;
	_ =	sdelay $0x1  }
0x28: {  	v4 =	vadd.s32 v1, v4;
	_ =	sdelay $0x3  }
0x29: {  	v3 =	vperm.xlane v3, v2  }
0x2a: {  	[hbm4b:s3+s2] =	stream.indirect_vreg.scatter [tilespmem:s2], [sflag:$0x1], $0x80, v4, vm0, $0xb8;
	[tilespmem:$0xC100] =	vst v63  }
0x2b: {  	s8 =	simm.s32 $0x800;
	v3 =	vadd.s32 v1, v3  }
0x2c: {  	[hbm4b:s4+s2] =	stream.indirect_vreg.scatter [tilespmem:s8], [sflag:$0x1], $0x80, v4, vm0, $0xb8;
	[tilespmem:$0xC100] =	vst v63  }
0x2d: {  	s9 =	simm.s32 $0x1000  }
0x2e: {  	[hbm4b:s5+s2] =	stream.indirect_vreg.scatter [tilespmem:s9], [sflag:$0x1], $0x80, v4, vm0, $0xb8;
	[tilespmem:$0xC100] =	vst v63  }
0x2f: {  	_ = 	snop  }
0x30: {  	[hbm4b:s3+s2] =	stream.indirect_vreg.scatter [tilespmem:s10], [sflag:$0x1], $0x80, v3, vm0, $0xb8;
	[tilespmem:$0xC100] =	vst v63  }
0x31: {  	_ = 	snop  }
0x32: {  	[hbm4b:s4+s2] =	stream.indirect_vreg.scatter [tilespmem:s11], [sflag:$0x1], $0x80, v3, vm0, $0xb8;
	[tilespmem:$0xC100] =	vst v63  }
0x33: {  	_ = 	snop  }
0x34: {  	[hbm4b:s5+s2] =	stream.indirect_vreg.scatter [tilespmem:s12], [sflag:$0x1], $0x80, v3, vm0, $0xb8;
	[tilespmem:$0xC100] =	vst v63  }
0x35: {  	v3 =	vld [tilespmem:$0xC010];
	_ =	sdelay $0x4  }
0x36: {  	v57 =	vshrl.u32 v3, $0x3  }
0x37: {  	v4 =	vmul.u32 $0x30, v57  }
0x38: {  	v3 =	vand.u32 $0x7, v3  }
0x39: {  	v3 =	vor.u32 v3, v4  }
0x3a: {  	v4 =	vperm.xlane v3, v0;
	_ =	sdelay $0x1  }
0x3b: {  	v4 =	vadd.s32 v1, v4;
	_ =	sdelay $0x3  }
0x3c: {  	v3 =	vperm.xlane v3, v2  }
0x3d: {  	[hbm4b:s3+s2] =	stream.indirect_vreg.scatter [tilespmem:s13], [sflag:$0x1], $0x80, v4, vm0, $0xb8;
	[tilespmem:$0xC100] =	vst v63  }
0x3e: {  	v3 =	vadd.s32 v1, v3  }
0x3f: {  	[hbm4b:s4+s2] =	stream.indirect_vreg.scatter [tilespmem:s14], [sflag:$0x1], $0x80, v4, vm0, $0xb8;
	[tilespmem:$0xC100] =	vst v63  }
0x40: {  	_ = 	snop  }
0x41: {  	[hbm4b:s5+s2] =	stream.indirect_vreg.scatter [tilespmem:s15], [sflag:$0x1], $0x80, v4, vm0, $0xb8;
	[tilespmem:$0xC100] =	vst v63  }
0x42: {  	_ = 	snop  }
0x43: {  	[hbm4b:s3+s2] =	stream.indirect_vreg.scatter [tilespmem:s16], [sflag:$0x1], $0x80, v3, vm0, $0xb8;
	[tilespmem:$0xC100] =	vst v63  }
0x44: {  	_ = 	snop  }
0x45: {  	[hbm4b:s4+s2] =	stream.indirect_vreg.scatter [tilespmem:s17], [sflag:$0x1], $0x80, v3, vm0, $0xb8;
	[tilespmem:$0xC100] =	vst v63  }
0x46: {  	_ = 	snop  }
0x47: {  	[hbm4b:s5+s2] =	stream.indirect_vreg.scatter [tilespmem:s18], [sflag:$0x1], $0x80, v3, vm0, $0xb8;
	[tilespmem:$0xC100] =	vst v63  }
0x48: {  	v3 =	vld [tilespmem:$0xC020];
	_ =	sdelay $0x4  }
0x49: {  	v58 =	vshrl.u32 v3, $0x3  }
0x4a: {  	v4 =	vmul.u32 $0x30, v58  }
0x4b: {  	v3 =	vand.u32 $0x7, v3  }
0x4c: {  	v3 =	vor.u32 v3, v4  }
0x4d: {  	v4 =	vperm.xlane v3, v0;
	_ =	sdelay $0x1  }
0x4e: {  	v4 =	vadd.s32 v1, v4;
	_ =	sdelay $0x3  }
0x4f: {  	v3 =	vperm.xlane v3, v2  }
0x50: {  	[hbm4b:s3+s2] =	stream.indirect_vreg.scatter [tilespmem:s19], [sflag:$0x1], $0x80, v4, vm0, $0xb8;
	[tilespmem:$0xC100] =	vst v63  }
0x51: {  	v3 =	vadd.s32 v1, v3  }
0x52: {  	[hbm4b:s4+s2] =	stream.indirect_vreg.scatter [tilespmem:s20], [sflag:$0x1], $0x80, v4, vm0, $0xb8;
	[tilespmem:$0xC100] =	vst v63  }
0x53: {  	_ = 	snop  }
0x54: {  	[hbm4b:s5+s2] =	stream.indirect_vreg.scatter [tilespmem:s21], [sflag:$0x1], $0x80, v4, vm0, $0xb8;
	[tilespmem:$0xC100] =	vst v63  }
0x55: {  	_ = 	snop  }
0x56: {  	[hbm4b:s3+s2] =	stream.indirect_vreg.scatter [tilespmem:s22], [sflag:$0x1], $0x80, v3, vm0, $0xb8;
	[tilespmem:$0xC100] =	vst v63  }
0x57: {  	_ = 	snop  }
0x58: {  	[hbm4b:s4+s2] =	stream.indirect_vreg.scatter [tilespmem:s23], [sflag:$0x1], $0x80, v3, vm0, $0xb8;
	[tilespmem:$0xC100] =	vst v63  }
0x59: {  	_ = 	snop  }
0x5a: {  	[hbm4b:s5+s2] =	stream.indirect_vreg.scatter [tilespmem:s24], [sflag:$0x1], $0x80, v3, vm0, $0xb8;
	[tilespmem:$0xC100] =	vst v63  }
0x5b: {  	v3 =	vld [tilespmem:$0xC030];
	_ =	sdelay $0x4  }
0x5c: {  	v59 =	vshrl.u32 v3, $0x3  }
0x5d: {  	v4 =	vmul.u32 $0x30, v59  }
0x5e: {  	v3 =	vand.u32 $0x7, v3  }
0x5f: {  	v3 =	vor.u32 v3, v4  }
0x60: {  	v4 =	vperm.xlane v3, v0;
	_ =	sdelay $0x1  }
0x61: {  	v4 =	vadd.s32 v1, v4;
	_ =	sdelay $0x3  }
0x62: {  	v3 =	vperm.xlane v3, v2  }
0x63: {  	[hbm4b:s3+s2] =	stream.indirect_vreg.scatter [tilespmem:s25], [sflag:$0x1], $0x80, v4, vm0, $0xb8;
	[tilespmem:$0xC100] =	vst v63  }
0x64: {  	v3 =	vadd.s32 v1, v3  }
0x65: {  	[hbm4b:s4+s2] =	stream.indirect_vreg.scatter [tilespmem:s26], [sflag:$0x1], $0x80, v4, vm0, $0xb8;
	[tilespmem:$0xC100] =	vst v63  }
0x66: {  	_ = 	snop  }
0x67: {  	[hbm4b:s5+s2] =	stream.indirect_vreg.scatter [tilespmem:s28], [sflag:$0x1], $0x80, v4, vm0, $0xb8;
	[tilespmem:$0xC100] =	vst v63  }
0x68: {  	_ = 	snop  }
0x69: {  	[hbm4b:s3+s2] =	stream.indirect_vreg.scatter [tilespmem:s29], [sflag:$0x1], $0x80, v3, vm0, $0xb8;
	[tilespmem:$0xC100] =	vst v63  }
0x6a: {  	_ = 	snop  }
0x6b: {  	[hbm4b:s4+s2] =	stream.indirect_vreg.scatter [tilespmem:s30], [sflag:$0x1], $0x80, v3, vm0, $0xb8;
	[tilespmem:$0xC100] =	vst v63  }
0x6c: {  	_ = 	snop  }
0x6d: {  	[hbm4b:s5+s2] =	stream.indirect_vreg.scatter [tilespmem:s31], [sflag:$0x1], $0x80, v3, vm0, $0xb8;
	[tilespmem:$0xC100] =	vst v63  }
0x6e: {  	v3 =	vld [tilespmem:$0xC080];
	_ =	sdelay $0x4  }
0x6f: {  	v60 =	vshrl.u32 v3, $0x3  }
0x70: {  	v4 =	vmul.u32 $0x30, v60  }
0x71: {  	v3 =	vand.u32 $0x7, v3  }
0x72: {  	v3 =	vor.u32 v3, v4  }
0x73: {  	v4 =	vperm.xlane v3, v0;
	_ =	sdelay $0x1  }
0x74: {  	v4 =	vadd.s32 v1, v4;
	_ =	sdelay $0x3  }
0x75: {  	v3 =	vperm.xlane v3, v2  }
0x76: {  	[hbm4b:s3+s2] =	stream.indirect_vreg.scatter [tilespmem:s2], [sflag:$0x2], $0x80, v4, vm0, $0xb8;
	[tilespmem:$0xC100] =	vst v63  }
0x77: {  	v3 =	vadd.s32 v1, v3  }
0x78: {  	[hbm4b:s4+s2] =	stream.indirect_vreg.scatter [tilespmem:s8], [sflag:$0x2], $0x80, v4, vm0, $0xb8;
	[tilespmem:$0xC100] =	vst v63  }
0x79: {  	_ = 	snop  }
0x7a: {  	[hbm4b:s5+s2] =	stream.indirect_vreg.scatter [tilespmem:s9], [sflag:$0x2], $0x80, v4, vm0, $0xb8;
	[tilespmem:$0xC100] =	vst v63  }
0x7b: {  	_ = 	snop  }
0x7c: {  	[hbm4b:s3+s2] =	stream.indirect_vreg.scatter [tilespmem:s10], [sflag:$0x2], $0x80, v3, vm0, $0xb8;
	[tilespmem:$0xC100] =	vst v63  }
0x7d: {  	_ = 	snop  }
0x7e: {  	[hbm4b:s4+s2] =	stream.indirect_vreg.scatter [tilespmem:s11], [sflag:$0x2], $0x80, v3, vm0, $0xb8;
	[tilespmem:$0xC100] =	vst v63  }
0x7f: {  	_ = 	snop  }
0x80: {  	[hbm4b:s5+s2] =	stream.indirect_vreg.scatter [tilespmem:s12], [sflag:$0x2], $0x80, v3, vm0, $0xb8;
	[tilespmem:$0xC100] =	vst v63  }
0x81: {  	v3 =	vld [tilespmem:$0xC090];
	_ =	sdelay $0x4  }
0x82: {  	v61 =	vshrl.u32 v3, $0x3  }
0x83: {  	v4 =	vmul.u32 $0x30, v61  }
0x84: {  	v3 =	vand.u32 $0x7, v3  }
0x85: {  	v3 =	vor.u32 v3, v4  }
0x86: {  	v4 =	vperm.xlane v3, v0;
	_ =	sdelay $0x1  }
0x87: {  	v4 =	vadd.s32 v1, v4;
	_ =	sdelay $0x3  }
0x88: {  	v3 =	vperm.xlane v3, v2  }
0x89: {  	[hbm4b:s3+s2] =	stream.indirect_vreg.scatter [tilespmem:s13], [sflag:$0x2], $0x80, v4, vm0, $0xb8;
	[tilespmem:$0xC100] =	vst v63  }
0x8a: {  	v3 =	vadd.s32 v1, v3  }
0x8b: {  	[hbm4b:s4+s2] =	stream.indirect_vreg.scatter [tilespmem:s14], [sflag:$0x2], $0x80, v4, vm0, $0xb8;
	[tilespmem:$0xC100] =	vst v63  }
0x8c: {  	_ = 	snop  }
0x8d: {  	[hbm4b:s5+s2] =	stream.indirect_vreg.scatter [tilespmem:s15], [sflag:$0x2], $0x80, v4, vm0, $0xb8;
	[tilespmem:$0xC100] =	vst v63  }
0x8e: {  	_ = 	snop  }
0x8f: {  	[hbm4b:s3+s2] =	stream.indirect_vreg.scatter [tilespmem:s16], [sflag:$0x2], $0x80, v3, vm0, $0xb8;
	[tilespmem:$0xC100] =	vst v63  }
0x90: {  	_ = 	snop  }
0x91: {  	[hbm4b:s4+s2] =	stream.indirect_vreg.scatter [tilespmem:s17], [sflag:$0x2], $0x80, v3, vm0, $0xb8;
	[tilespmem:$0xC100] =	vst v63  }
0x92: {  	_ = 	snop  }
0x93: {  	[hbm4b:s5+s2] =	stream.indirect_vreg.scatter [tilespmem:s18], [sflag:$0x2], $0x80, v3, vm0, $0xb8;
	[tilespmem:$0xC100] =	vst v63  }
0x94: {  	v3 =	vld [tilespmem:$0xC0A0];
	_ =	sdelay $0x4  }
0x95: {  	v62 =	vshrl.u32 v3, $0x3  }
0x96: {  	v4 =	vmul.u32 $0x30, v62  }
0x97: {  	v3 =	vand.u32 $0x7, v3  }
0x98: {  	v3 =	vor.u32 v3, v4  }
0x99: {  	v4 =	vperm.xlane v3, v0;
	_ =	sdelay $0x1  }
0x9a: {  	v4 =	vadd.s32 v1, v4;
	_ =	sdelay $0x3  }
0x9b: {  	v3 =	vperm.xlane v3, v2  }
0x9c: {  	[hbm4b:s3+s2] =	stream.indirect_vreg.scatter [tilespmem:s19], [sflag:$0x2], $0x80, v4, vm0, $0xb8;
	[tilespmem:$0xC100] =	vst v63  }
0x9d: {  	v3 =	vadd.s32 v1, v3  }
0x9e: {  	[hbm4b:s4+s2] =	stream.indirect_vreg.scatter [tilespmem:s20], [sflag:$0x2], $0x80, v4, vm0, $0xb8;
	[tilespmem:$0xC100] =	vst v63  }
0x9f: {  	_ = 	snop  }
0xa0: {  	[hbm4b:s5+s2] =	stream.indirect_vreg.scatter [tilespmem:s21], [sflag:$0x2], $0x80, v4, vm0, $0xb8;
	[tilespmem:$0xC100] =	vst v63  }
0xa1: {  	_ = 	snop  }
0xa2: {  	[hbm4b:s3+s2] =	stream.indirect_vreg.scatter [tilespmem:s22], [sflag:$0x2], $0x80, v3, vm0, $0xb8;
	[tilespmem:$0xC100] =	vst v63  }
0xa3: {  	_ = 	snop  }
0xa4: {  	[hbm4b:s4+s2] =	stream.indirect_vreg.scatter [tilespmem:s23], [sflag:$0x2], $0x80, v3, vm0, $0xb8;
	[tilespmem:$0xC100] =	vst v63  }
0xa5: {  	_ = 	snop  }
0xa6: {  	[hbm4b:s5+s2] =	stream.indirect_vreg.scatter [tilespmem:s24], [sflag:$0x2], $0x80, v3, vm0, $0xb8;
	[tilespmem:$0xC100] =	vst v63  }
0xa7: {  	v3 =	vld [tilespmem:$0xC0B0];
	_ =	sdelay $0x4  }
0xa8: {  	v63 =	vshrl.u32 v3, $0x3  }
0xa9: {  	v4 =	vmul.u32 $0x30, v63  }
0xaa: {  	v3 =	vand.u32 $0x7, v3  }
0xab: {  	v3 =	vor.u32 v3, v4  }
0xac: {  	v4 =	vperm.xlane v3, v0;
	_ =	sdelay $0x1  }
0xad: {  	v4 =	vadd.s32 v1, v4;
	_ =	sdelay $0x3  }
0xae: {  	v3 =	vperm.xlane v3, v2  }
0xaf: {  	[hbm4b:s3+s2] =	stream.indirect_vreg.scatter [tilespmem:s25], [sflag:$0x2], $0x80, v4, vm0, $0xb8;
	[tilespmem:$0xC100] =	vst v63  }
0xb0: {  	v3 =	vadd.s32 v1, v3  }
0xb1: {  	[hbm4b:s4+s2] =	stream.indirect_vreg.scatter [tilespmem:s26], [sflag:$0x2], $0x80, v4, vm0, $0xb8;
	[tilespmem:$0xC100] =	vst v63  }
0xb2: {  	_ = 	snop  }
0xb3: {  	[hbm4b:s5+s2] =	stream.indirect_vreg.scatter [tilespmem:s28], [sflag:$0x2], $0x80, v4, vm0, $0xb8;
	[tilespmem:$0xC100] =	vst v63  }
0xb4: {  	_ = 	snop  }
0xb5: {  	[hbm4b:s3+s2] =	stream.indirect_vreg.scatter [tilespmem:s29], [sflag:$0x2], $0x80, v3, vm0, $0xb8;
	[tilespmem:$0xC100] =	vst v63  }
0xb6: {  	_ = 	snop  }
0xb7: {  	[hbm4b:s4+s2] =	stream.indirect_vreg.scatter [tilespmem:s30], [sflag:$0x2], $0x80, v3, vm0, $0xb8;
	[tilespmem:$0xC100] =	vst v63  }
0xb8: {  	_ = 	snop  }
0xb9: {  	[hbm4b:s5+s2] =	stream.indirect_vreg.scatter [tilespmem:s31], [sflag:$0x2], $0x80, v3, vm0, $0xb8;
	[tilespmem:$0xC100] =	vst v63  }
0xba: {  	p0 =	sne.s32 s6, $0x1;
	_ =	swait.ge [sflag:s1], $0xC000  }
.Ltmp0:
0xbb: {  	[sflag:s1] =	ssyncset.done $0x0;
	(pc) =	sbr.rel @p0 .LBB2_1-.Ltmp0, $4  }
0xbc: {  	[sflag:s1] =	ssyncadd.s32 $0xFFFF4000  }
0xbd: {  	_ =	swait.ge [sflag:s0], $0xC000  }
0xbe: {  	[sflag:s0] =	ssyncset.done $0x0  }
0xbf: {  	s6 =	sadd.s32 $0xFFFFFFFF, s6;
	[sflag:s0] =	ssyncadd.s32 $0xFFFF4000  }
0xc0: {  	_ =	sfence.sel $0x180000  }
0xc1: {  	[bflag:$0x0] =	sbarrier.arrive $0xFFFF  }
0xc2: {  	_ =	strace $0x90000047  }
0xc3: {  	s0 =	stileid.u32;
	[bflag:$0x2] =	sbarrier.arrive $0xFFFF  }
0xc4: {  	p0 =	sne.s32 s0, $0x0;
	s0 =	rddreg [dreg:$0x2]  }
0xc5: {  	s0 =	sadd.s32 @!p0 $0x100000, s0  }
0xc6: {  	[sflag:s0] =	ssyncadd.tile.s32 @!p0 $0x1;
	_ =	shalt  }
.Lfunc_end2:
_tile_overlayer_lowered:
.L_overlay_start_2:
0xc7: {  	(tag) =	ssettag $0x2  }
0xc8: {  	s0 =	rddreg [dreg:$0x0];
	s2 =	stileid.u32  }
0xc9: {  	s1 =	rddreg [dreg:$0x1];
	p0 =	sne.s32 s2, $0x0  }
0xca: {  	s3 =	rddreg [dreg:$0x2];
	[bflag:$0x3] =	sbarrier.arrive $0xFFFF;
	s2 =	simm.s32 @!p0 $0x1C03  }
0xcb: {  	[timem:s3], [sflag:s2] =	dma.local @!p0 [hbm:s0], s1  }
0xcc: {  	s0 =	simm.s32 @!p0 $0x3  }
0xcd: {  	_ =	swait.ge @!p0 [sflag:s0], s1  }
0xce: {  	s1 =	ssub.s32 @!p0 $0x0, s1;
	[sflag:s0] =	ssyncset.done @!p0 $0x0  }
0xcf: {  	[sflag:s0] =	ssyncadd.s32 @!p0 s1  }
0xd0: {  	[bflag:$0x3] =	sbarrier.arrive $0xFFFF  }
0xd1: {  	_ =	shalt  }

</sc_bundles>
